<compile_context>
chip_gen: v7x
topology: tpu7x:2x2x1
jax: 0.10.2.dev20260603
libtpu: 0.0.44.dev20260713+nightly
codegen_flags: <defaults>
</compile_context>

<pallas_src>
import functools

import jax
import jax.numpy as jnp
from jax import lax
from jax.experimental import pallas as pl
from jax.experimental.pallas import tpu as pltpu
from jax.experimental.pallas import tpu_sc as plsc

B = 16384
D = 32
NC = 2
NS = 16
NW = NC * NS
BPW = B // NW
CH = 128
NCH = BPW // CH


def _sc_body(sidx_hbm, pidx_hbm, osidx_hbm, opidx_hbm, ws_hbm, wp_hbm,
             out_hbm, sidx_v, pidx_v, osidx_v, opidx_v, srows_v, prows_v,
             gsem, ssem):
    wid = lax.axis_index("s") * NC + lax.axis_index("c")
    row0 = wid * NCH

    pltpu.sync_copy(sidx_hbm.at[pl.ds(row0, NCH)], sidx_v)
    pltpu.sync_copy(pidx_hbm.at[pl.ds(row0, NCH)], pidx_v)
    pltpu.sync_copy(osidx_hbm.at[pl.ds(row0, NCH)], osidx_v)
    pltpu.sync_copy(opidx_hbm.at[pl.ds(row0, NCH)], opidx_v)

    gathers = []
    for j in range(NCH):
        gathers.append(pltpu.async_copy(
            ws_hbm.at[sidx_v.at[j]], srows_v.at[pl.ds(j * CH, CH)], gsem))
    for j in range(NCH):
        gathers.append(pltpu.async_copy(
            wp_hbm.at[pidx_v.at[j]], prows_v.at[pl.ds(j * CH, CH)], gsem))
    for g in gathers:
        g.wait()

    scatters = []
    for j in range(NCH):
        scatters.append(pltpu.async_copy(
            srows_v.at[pl.ds(j * CH, CH)], out_hbm.at[osidx_v.at[j]], ssem))
    for j in range(NCH):
        scatters.append(pltpu.async_copy(
            prows_v.at[pl.ds(j * CH, CH)], out_hbm.at[opidx_v.at[j]], ssem))
    for s in scatters:
        s.wait()


@functools.partial(jax.jit, static_argnames=())
def kernel(item_fea, W_stars, W_postal):
    stars_idx = item_fea[:, 0].reshape(B // CH, CH)
    postal_idx = item_fea[:, 1].reshape(B // CH, CH)
    oidx = jnp.arange(B, dtype=jnp.int32) * 2
    osidx = oidx.reshape(B // CH, CH)
    opidx = (oidx + 1).reshape(B // CH, CH)

    mesh = plsc.VectorSubcoreMesh(core_axis_name="c", subcore_axis_name="s")
    out = pl.kernel(
        _sc_body,
        mesh=mesh,
        out_type=jax.ShapeDtypeStruct((2 * B, D), jnp.float32),
        compiler_params=pltpu.CompilerParams(use_tc_tiling_on_sc=False),
        scratch_types=[
            pltpu.VMEM((NCH, CH), jnp.int32),
            pltpu.VMEM((NCH, CH), jnp.int32),
            pltpu.VMEM((NCH, CH), jnp.int32),
            pltpu.VMEM((NCH, CH), jnp.int32),
            pltpu.VMEM((BPW, D), jnp.float32),
            pltpu.VMEM((BPW, D), jnp.float32),
            pltpu.SemaphoreType.DMA,
            pltpu.SemaphoreType.DMA,
        ],
    )(stars_idx, postal_idx, osidx, opidx, W_stars, W_postal)
    return out.reshape(B, 2 * D)

# --- scband reference (transcript-rebuilt; emitter-appended) ---
"""Pipeline reference for scband-item-embedding-yelp-317827580392 (READ-ONLY COPY).

The authoritative reference and input builder live on the scoring server;
editing this copy changes nothing except your own understanding.
"""

import jax, jax.numpy as jnp
import numpy as np

NUM_STARS = 100000
NUM_POSTALCODE = 1000000
EMBED_DIM = 32
BATCH = 16384


def setup_inputs(seed: int = 0) -> dict:
    key = jax.random.key(seed)
    k_idx, k_stars, k_postal = jax.random.split(key, 3)
    item_fea = jax.random.randint(k_idx, (BATCH, 2), 0, NUM_STARS, dtype=jnp.int32)
    W_stars = jax.random.normal(k_stars, (NUM_STARS, EMBED_DIM), dtype=jnp.float32)
    W_postal = jax.random.normal(k_postal, (NUM_POSTALCODE, EMBED_DIM), dtype=jnp.float32)
    return {"item_fea": item_fea, "W_stars": W_stars, "W_postal": W_postal}


def reference(item_fea, W_stars, W_postal):
    stars_idx = item_fea[:, 0]
    postalcode_idx = item_fea[:, 1]
    stars_emb = jnp.take(W_stars, stars_idx, axis=0)
    postalcode_emb = jnp.take(W_postal, postalcode_idx, axis=0)
    return jnp.concatenate((stars_emb, postalcode_emb), axis=1)

if __name__ == "__main__":
    import jax
    _d = setup_inputs()
    print(jax.jit(kernel)(*tuple(_d.values())))

</pallas_src>

<mosaic_0001>
#map = affine_map<(d0, d1) -> (0, 0)>
module attributes {stable_mosaic.version = 14 : i64} {
  func.func @_sc_body(%arg0: i32, %arg1: i32, %arg2: memref<128x128xi32, #tpu.memory_space<hbm>>, %arg3: memref<128x128xi32, #tpu.memory_space<hbm>>, %arg4: memref<128x128xi32, #tpu.memory_space<hbm>>, %arg5: memref<128x128xi32, #tpu.memory_space<hbm>>, %arg6: memref<100000x32xf32, #tpu.memory_space<hbm>>, %arg7: memref<1000000x32xf32, #tpu.memory_space<hbm>>, %arg8: memref<32768x32xf32, #tpu.memory_space<hbm>>, %arg9: memref<4x128xi32, #tpu.memory_space<vmem>>, %arg10: memref<4x128xi32, #tpu.memory_space<vmem>>, %arg11: memref<4x128xi32, #tpu.memory_space<vmem>>, %arg12: memref<4x128xi32, #tpu.memory_space<vmem>>, %arg13: memref<512x32xf32, #tpu.memory_space<vmem>>, %arg14: memref<512x32xf32, #tpu.memory_space<vmem>>, %arg15: memref<!tpu.dma_semaphore, #tpu.memory_space<semaphore_mem>>, %arg16: memref<!tpu.dma_semaphore, #tpu.memory_space<semaphore_mem>>) attributes {dimension_semantics = [#tpu.dimension_semantics<core_parallel>, #tpu.dimension_semantics<subcore_parallel>], iteration_bounds = array<i64: 2, 16>, scalar_prefetch = 0 : i64, scratch_operands = 8 : i64, tpu.core_type = #tpu.core_type<sc_vector_subcore>, window_params = [{transform_indices = #map}, {transform_indices = #map}, {transform_indices = #map}, {transform_indices = #map}, {transform_indices = #map}, {transform_indices = #map}, {transform_indices = #map}]} {
    %mul3A = arith.constant 2 : i32
    %mul3A_0 = arith.muli %arg1, %mul3A : i32
    %add3A = arith.addi %mul3A_0, %arg0 : i32
    %mul3A_1 = arith.constant 4 : i32
    %mul3A_2 = arith.muli %add3A, %mul3A_1 : i32
    "tpu.region"() ({
      %run_scoped3A = tpu.sem_alloc : memref<!tpu.dma_semaphore, #tpu.memory_space<semaphore_mem>>
      %dma_start3A_321 = arith.constant 0 : i32
      %dma_start3A_322 = tpu.memref_slice %arg2[%mul3A_2, %dma_start3A_321] : memref<128x128xi32, #tpu.memory_space<hbm>> -> memref<4x128xi32, #tpu.memory_space<hbm>>
      %dma_start3A_323 = arith.constant 0 : i32
      %dma_start3A_324 = tpu.memref_slice %arg2[%mul3A_2, %dma_start3A_323] : memref<128x128xi32, #tpu.memory_space<hbm>> -> memref<4x128xi32, #tpu.memory_space<hbm>>
      tpu.enqueue_dma source(%dma_start3A_324 : memref<4x128xi32, #tpu.memory_space<hbm>>) target(%arg9 : memref<4x128xi32, #tpu.memory_space<vmem>>) target_semaphore(%run_scoped3A : memref<!tpu.dma_semaphore, #tpu.memory_space<semaphore_mem>>)
      %dma_wait3A_325 = arith.constant 0 : i32
      %dma_wait3A_326 = tpu.memref_slice %arg2[%mul3A_2, %dma_wait3A_325] : memref<128x128xi32, #tpu.memory_space<hbm>> -> memref<4x128xi32, #tpu.memory_space<hbm>>
      %dma_wait3A_327 = arith.constant 0 : i32
      %dma_wait3A_328 = tpu.memref_slice %arg2[%mul3A_2, %dma_wait3A_327] : memref<128x128xi32, #tpu.memory_space<hbm>> -> memref<4x128xi32, #tpu.memory_space<hbm>>
      tpu.wait_dma2 semaphore(%run_scoped3A : memref<!tpu.dma_semaphore, #tpu.memory_space<semaphore_mem>>) src(%dma_wait3A_328 : memref<4x128xi32, #tpu.memory_space<hbm>>) dst(%arg9 : memref<4x128xi32, #tpu.memory_space<vmem>>)
      tpu.yield
    }) : () -> ()
    "tpu.region"() ({
      %run_scoped3A = tpu.sem_alloc : memref<!tpu.dma_semaphore, #tpu.memory_space<semaphore_mem>>
      %dma_start3A_321 = arith.constant 0 : i32
      %dma_start3A_322 = tpu.memref_slice %arg3[%mul3A_2, %dma_start3A_321] : memref<128x128xi32, #tpu.memory_space<hbm>> -> memref<4x128xi32, #tpu.memory_space<hbm>>
      %dma_start3A_323 = arith.constant 0 : i32
      %dma_start3A_324 = tpu.memref_slice %arg3[%mul3A_2, %dma_start3A_323] : memref<128x128xi32, #tpu.memory_space<hbm>> -> memref<4x128xi32, #tpu.memory_space<hbm>>
      tpu.enqueue_dma source(%dma_start3A_324 : memref<4x128xi32, #tpu.memory_space<hbm>>) target(%arg10 : memref<4x128xi32, #tpu.memory_space<vmem>>) target_semaphore(%run_scoped3A : memref<!tpu.dma_semaphore, #tpu.memory_space<semaphore_mem>>)
      %dma_wait3A_325 = arith.constant 0 : i32
      %dma_wait3A_326 = tpu.memref_slice %arg3[%mul3A_2, %dma_wait3A_325] : memref<128x128xi32, #tpu.memory_space<hbm>> -> memref<4x128xi32, #tpu.memory_space<hbm>>
      %dma_wait3A_327 = arith.constant 0 : i32
      %dma_wait3A_328 = tpu.memref_slice %arg3[%mul3A_2, %dma_wait3A_327] : memref<128x128xi32, #tpu.memory_space<hbm>> -> memref<4x128xi32, #tpu.memory_space<hbm>>
      tpu.wait_dma2 semaphore(%run_scoped3A : memref<!tpu.dma_semaphore, #tpu.memory_space<semaphore_mem>>) src(%dma_wait3A_328 : memref<4x128xi32, #tpu.memory_space<hbm>>) dst(%arg10 : memref<4x128xi32, #tpu.memory_space<vmem>>)
      tpu.yield
    }) : () -> ()
    "tpu.region"() ({
      %run_scoped3A = tpu.sem_alloc : memref<!tpu.dma_semaphore, #tpu.memory_space<semaphore_mem>>
      %dma_start3A_321 = arith.constant 0 : i32
      %dma_start3A_322 = tpu.memref_slice %arg4[%mul3A_2, %dma_start3A_321] : memref<128x128xi32, #tpu.memory_space<hbm>> -> memref<4x128xi32, #tpu.memory_space<hbm>>
      %dma_start3A_323 = arith.constant 0 : i32
      %dma_start3A_324 = tpu.memref_slice %arg4[%mul3A_2, %dma_start3A_323] : memref<128x128xi32, #tpu.memory_space<hbm>> -> memref<4x128xi32, #tpu.memory_space<hbm>>
      tpu.enqueue_dma source(%dma_start3A_324 : memref<4x128xi32, #tpu.memory_space<hbm>>) target(%arg11 : memref<4x128xi32, #tpu.memory_space<vmem>>) target_semaphore(%run_scoped3A : memref<!tpu.dma_semaphore, #tpu.memory_space<semaphore_mem>>)
      %dma_wait3A_325 = arith.constant 0 : i32
      %dma_wait3A_326 = tpu.memref_slice %arg4[%mul3A_2, %dma_wait3A_325] : memref<128x128xi32, #tpu.memory_space<hbm>> -> memref<4x128xi32, #tpu.memory_space<hbm>>
      %dma_wait3A_327 = arith.constant 0 : i32
      %dma_wait3A_328 = tpu.memref_slice %arg4[%mul3A_2, %dma_wait3A_327] : memref<128x128xi32, #tpu.memory_space<hbm>> -> memref<4x128xi32, #tpu.memory_space<hbm>>
      tpu.wait_dma2 semaphore(%run_scoped3A : memref<!tpu.dma_semaphore, #tpu.memory_space<semaphore_mem>>) src(%dma_wait3A_328 : memref<4x128xi32, #tpu.memory_space<hbm>>) dst(%arg11 : memref<4x128xi32, #tpu.memory_space<vmem>>)
      tpu.yield
    }) : () -> ()
    "tpu.region"() ({
      %run_scoped3A = tpu.sem_alloc : memref<!tpu.dma_semaphore, #tpu.memory_space<semaphore_mem>>
      %dma_start3A_321 = arith.constant 0 : i32
      %dma_start3A_322 = tpu.memref_slice %arg5[%mul3A_2, %dma_start3A_321] : memref<128x128xi32, #tpu.memory_space<hbm>> -> memref<4x128xi32, #tpu.memory_space<hbm>>
      %dma_start3A_323 = arith.constant 0 : i32
      %dma_start3A_324 = tpu.memref_slice %arg5[%mul3A_2, %dma_start3A_323] : memref<128x128xi32, #tpu.memory_space<hbm>> -> memref<4x128xi32, #tpu.memory_space<hbm>>
      tpu.enqueue_dma source(%dma_start3A_324 : memref<4x128xi32, #tpu.memory_space<hbm>>) target(%arg12 : memref<4x128xi32, #tpu.memory_space<vmem>>) target_semaphore(%run_scoped3A : memref<!tpu.dma_semaphore, #tpu.memory_space<semaphore_mem>>)
      %dma_wait3A_325 = arith.constant 0 : i32
      %dma_wait3A_326 = tpu.memref_slice %arg5[%mul3A_2, %dma_wait3A_325] : memref<128x128xi32, #tpu.memory_space<hbm>> -> memref<4x128xi32, #tpu.memory_space<hbm>>
      %dma_wait3A_327 = arith.constant 0 : i32
      %dma_wait3A_328 = tpu.memref_slice %arg5[%mul3A_2, %dma_wait3A_327] : memref<128x128xi32, #tpu.memory_space<hbm>> -> memref<4x128xi32, #tpu.memory_space<hbm>>
      tpu.wait_dma2 semaphore(%run_scoped3A : memref<!tpu.dma_semaphore, #tpu.memory_space<semaphore_mem>>) src(%dma_wait3A_328 : memref<4x128xi32, #tpu.memory_space<hbm>>) dst(%arg12 : memref<4x128xi32, #tpu.memory_space<vmem>>)
      tpu.yield
    }) : () -> ()
    %dma_start3A = arith.constant 0 : i32
    %dma_start3A_3 = arith.constant 0 : i32
    %dma_start3A_4 = arith.constant 0 : i32
    %dma_start3A_5 = tpu.memref_slice %arg13[%dma_start3A_3, %dma_start3A_4] : memref<512x32xf32, #tpu.memory_space<vmem>> -> memref<128x32xf32, #tpu.memory_space<vmem>>
    %dma_start3A_6 = arith.constant 0 : i32
    %dma_start3A_7 = tpu.memref_slice %arg9[%dma_start3A, %dma_start3A_6] : memref<4x128xi32, #tpu.memory_space<vmem>> -> memref<1x128xi32, #tpu.memory_space<vmem>>
    %dma_start3A_8 = tpu.memref_squeeze %dma_start3A_7 : memref<1x128xi32, #tpu.memory_space<vmem>> -> memref<128xi32, #tpu.memory_space<vmem>>
    %dma_start3A_9 = arith.constant 0 : i32
    %dma_start3A_10 = arith.constant 0 : i32
    %dma_start3A_11 = tpu.memref_slice %arg6[%dma_start3A_9, %dma_start3A_10] : memref<100000x32xf32, #tpu.memory_space<hbm>> -> memref<100000x32xf32, #tpu.memory_space<hbm>>
    tpu.enqueue_indirect_dma source(%dma_start3A_11 : memref<100000x32xf32, #tpu.memory_space<hbm>>) target(%dma_start3A_5 : memref<128x32xf32, #tpu.memory_space<vmem>>) offsets(%dma_start3A_8 : memref<128xi32, #tpu.memory_space<vmem>>) semaphore(%arg15 : memref<!tpu.dma_semaphore, #tpu.memory_space<semaphore_mem>>)
    %dma_start3A_12 = arith.constant 1 : i32
    %dma_start3A_13 = arith.constant 128 : i32
    %dma_start3A_14 = arith.constant 0 : i32
    %dma_start3A_15 = tpu.memref_slice %arg13[%dma_start3A_13, %dma_start3A_14] : memref<512x32xf32, #tpu.memory_space<vmem>> -> memref<128x32xf32, #tpu.memory_space<vmem>>
    %dma_start3A_16 = arith.constant 0 : i32
    %dma_start3A_17 = tpu.memref_slice %arg9[%dma_start3A_12, %dma_start3A_16] : memref<4x128xi32, #tpu.memory_space<vmem>> -> memref<1x128xi32, #tpu.memory_space<vmem>>
    %dma_start3A_18 = tpu.memref_squeeze %dma_start3A_17 : memref<1x128xi32, #tpu.memory_space<vmem>> -> memref<128xi32, #tpu.memory_space<vmem>>
    %dma_start3A_19 = arith.constant 0 : i32
    %dma_start3A_20 = arith.constant 0 : i32
    %dma_start3A_21 = tpu.memref_slice %arg6[%dma_start3A_19, %dma_start3A_20] : memref<100000x32xf32, #tpu.memory_space<hbm>> -> memref<100000x32xf32, #tpu.memory_space<hbm>>
    tpu.enqueue_indirect_dma source(%dma_start3A_21 : memref<100000x32xf32, #tpu.memory_space<hbm>>) target(%dma_start3A_15 : memref<128x32xf32, #tpu.memory_space<vmem>>) offsets(%dma_start3A_18 : memref<128xi32, #tpu.memory_space<vmem>>) semaphore(%arg15 : memref<!tpu.dma_semaphore, #tpu.memory_space<semaphore_mem>>)
    %dma_start3A_22 = arith.constant 2 : i32
    %dma_start3A_23 = arith.constant 256 : i32
    %dma_start3A_24 = arith.constant 0 : i32
    %dma_start3A_25 = tpu.memref_slice %arg13[%dma_start3A_23, %dma_start3A_24] : memref<512x32xf32, #tpu.memory_space<vmem>> -> memref<128x32xf32, #tpu.memory_space<vmem>>
    %dma_start3A_26 = arith.constant 0 : i32
    %dma_start3A_27 = tpu.memref_slice %arg9[%dma_start3A_22, %dma_start3A_26] : memref<4x128xi32, #tpu.memory_space<vmem>> -> memref<1x128xi32, #tpu.memory_space<vmem>>
    %dma_start3A_28 = tpu.memref_squeeze %dma_start3A_27 : memref<1x128xi32, #tpu.memory_space<vmem>> -> memref<128xi32, #tpu.memory_space<vmem>>
    %dma_start3A_29 = arith.constant 0 : i32
    %dma_start3A_30 = arith.constant 0 : i32
    %dma_start3A_31 = tpu.memref_slice %arg6[%dma_start3A_29, %dma_start3A_30] : memref<100000x32xf32, #tpu.memory_space<hbm>> -> memref<100000x32xf32, #tpu.memory_space<hbm>>
    tpu.enqueue_indirect_dma source(%dma_start3A_31 : memref<100000x32xf32, #tpu.memory_space<hbm>>) target(%dma_start3A_25 : memref<128x32xf32, #tpu.memory_space<vmem>>) offsets(%dma_start3A_28 : memref<128xi32, #tpu.memory_space<vmem>>) semaphore(%arg15 : memref<!tpu.dma_semaphore, #tpu.memory_space<semaphore_mem>>)
    %dma_start3A_32 = arith.constant 3 : i32
    %dma_start3A_33 = arith.constant 384 : i32
    %dma_start3A_34 = arith.constant 0 : i32
    %dma_start3A_35 = tpu.memref_slice %arg13[%dma_start3A_33, %dma_start3A_34] : memref<512x32xf32, #tpu.memory_space<vmem>> -> memref<128x32xf32, #tpu.memory_space<vmem>>
    %dma_start3A_36 = arith.constant 0 : i32
    %dma_start3A_37 = tpu.memref_slice %arg9[%dma_start3A_32, %dma_start3A_36] : memref<4x128xi32, #tpu.memory_space<vmem>> -> memref<1x128xi32, #tpu.memory_space<vmem>>
    %dma_start3A_38 = tpu.memref_squeeze %dma_start3A_37 : memref<1x128xi32, #tpu.memory_space<vmem>> -> memref<128xi32, #tpu.memory_space<vmem>>
    %dma_start3A_39 = arith.constant 0 : i32
    %dma_start3A_40 = arith.constant 0 : i32
    %dma_start3A_41 = tpu.memref_slice %arg6[%dma_start3A_39, %dma_start3A_40] : memref<100000x32xf32, #tpu.memory_space<hbm>> -> memref<100000x32xf32, #tpu.memory_space<hbm>>
    tpu.enqueue_indirect_dma source(%dma_start3A_41 : memref<100000x32xf32, #tpu.memory_space<hbm>>) target(%dma_start3A_35 : memref<128x32xf32, #tpu.memory_space<vmem>>) offsets(%dma_start3A_38 : memref<128xi32, #tpu.memory_space<vmem>>) semaphore(%arg15 : memref<!tpu.dma_semaphore, #tpu.memory_space<semaphore_mem>>)
    %dma_start3A_42 = arith.constant 0 : i32
    %dma_start3A_43 = arith.constant 0 : i32
    %dma_start3A_44 = arith.constant 0 : i32
    %dma_start3A_45 = tpu.memref_slice %arg14[%dma_start3A_43, %dma_start3A_44] : memref<512x32xf32, #tpu.memory_space<vmem>> -> memref<128x32xf32, #tpu.memory_space<vmem>>
    %dma_start3A_46 = arith.constant 0 : i32
    %dma_start3A_47 = tpu.memref_slice %arg10[%dma_start3A_42, %dma_start3A_46] : memref<4x128xi32, #tpu.memory_space<vmem>> -> memref<1x128xi32, #tpu.memory_space<vmem>>
    %dma_start3A_48 = tpu.memref_squeeze %dma_start3A_47 : memref<1x128xi32, #tpu.memory_space<vmem>> -> memref<128xi32, #tpu.memory_space<vmem>>
    %dma_start3A_49 = arith.constant 0 : i32
    %dma_start3A_50 = arith.constant 0 : i32
    %dma_start3A_51 = tpu.memref_slice %arg7[%dma_start3A_49, %dma_start3A_50] : memref<1000000x32xf32, #tpu.memory_space<hbm>> -> memref<1000000x32xf32, #tpu.memory_space<hbm>>
    tpu.enqueue_indirect_dma source(%dma_start3A_51 : memref<1000000x32xf32, #tpu.memory_space<hbm>>) target(%dma_start3A_45 : memref<128x32xf32, #tpu.memory_space<vmem>>) offsets(%dma_start3A_48 : memref<128xi32, #tpu.memory_space<vmem>>) semaphore(%arg15 : memref<!tpu.dma_semaphore, #tpu.memory_space<semaphore_mem>>)
    %dma_start3A_52 = arith.constant 1 : i32
    %dma_start3A_53 = arith.constant 128 : i32
    %dma_start3A_54 = arith.constant 0 : i32
    %dma_start3A_55 = tpu.memref_slice %arg14[%dma_start3A_53, %dma_start3A_54] : memref<512x32xf32, #tpu.memory_space<vmem>> -> memref<128x32xf32, #tpu.memory_space<vmem>>
    %dma_start3A_56 = arith.constant 0 : i32
    %dma_start3A_57 = tpu.memref_slice %arg10[%dma_start3A_52, %dma_start3A_56] : memref<4x128xi32, #tpu.memory_space<vmem>> -> memref<1x128xi32, #tpu.memory_space<vmem>>
    %dma_start3A_58 = tpu.memref_squeeze %dma_start3A_57 : memref<1x128xi32, #tpu.memory_space<vmem>> -> memref<128xi32, #tpu.memory_space<vmem>>
    %dma_start3A_59 = arith.constant 0 : i32
    %dma_start3A_60 = arith.constant 0 : i32
    %dma_start3A_61 = tpu.memref_slice %arg7[%dma_start3A_59, %dma_start3A_60] : memref<1000000x32xf32, #tpu.memory_space<hbm>> -> memref<1000000x32xf32, #tpu.memory_space<hbm>>
    tpu.enqueue_indirect_dma source(%dma_start3A_61 : memref<1000000x32xf32, #tpu.memory_space<hbm>>) target(%dma_start3A_55 : memref<128x32xf32, #tpu.memory_space<vmem>>) offsets(%dma_start3A_58 : memref<128xi32, #tpu.memory_space<vmem>>) semaphore(%arg15 : memref<!tpu.dma_semaphore, #tpu.memory_space<semaphore_mem>>)
    %dma_start3A_62 = arith.constant 2 : i32
    %dma_start3A_63 = arith.constant 256 : i32
    %dma_start3A_64 = arith.constant 0 : i32
    %dma_start3A_65 = tpu.memref_slice %arg14[%dma_start3A_63, %dma_start3A_64] : memref<512x32xf32, #tpu.memory_space<vmem>> -> memref<128x32xf32, #tpu.memory_space<vmem>>
    %dma_start3A_66 = arith.constant 0 : i32
    %dma_start3A_67 = tpu.memref_slice %arg10[%dma_start3A_62, %dma_start3A_66] : memref<4x128xi32, #tpu.memory_space<vmem>> -> memref<1x128xi32, #tpu.memory_space<vmem>>
    %dma_start3A_68 = tpu.memref_squeeze %dma_start3A_67 : memref<1x128xi32, #tpu.memory_space<vmem>> -> memref<128xi32, #tpu.memory_space<vmem>>
    %dma_start3A_69 = arith.constant 0 : i32
    %dma_start3A_70 = arith.constant 0 : i32
    %dma_start3A_71 = tpu.memref_slice %arg7[%dma_start3A_69, %dma_start3A_70] : memref<1000000x32xf32, #tpu.memory_space<hbm>> -> memref<1000000x32xf32, #tpu.memory_space<hbm>>
    tpu.enqueue_indirect_dma source(%dma_start3A_71 : memref<1000000x32xf32, #tpu.memory_space<hbm>>) target(%dma_start3A_65 : memref<128x32xf32, #tpu.memory_space<vmem>>) offsets(%dma_start3A_68 : memref<128xi32, #tpu.memory_space<vmem>>) semaphore(%arg15 : memref<!tpu.dma_semaphore, #tpu.memory_space<semaphore_mem>>)
    %dma_start3A_72 = arith.constant 3 : i32
    %dma_start3A_73 = arith.constant 384 : i32
    %dma_start3A_74 = arith.constant 0 : i32
    %dma_start3A_75 = tpu.memref_slice %arg14[%dma_start3A_73, %dma_start3A_74] : memref<512x32xf32, #tpu.memory_space<vmem>> -> memref<128x32xf32, #tpu.memory_space<vmem>>
    %dma_start3A_76 = arith.constant 0 : i32
    %dma_start3A_77 = tpu.memref_slice %arg10[%dma_start3A_72, %dma_start3A_76] : memref<4x128xi32, #tpu.memory_space<vmem>> -> memref<1x128xi32, #tpu.memory_space<vmem>>
    %dma_start3A_78 = tpu.memref_squeeze %dma_start3A_77 : memref<1x128xi32, #tpu.memory_space<vmem>> -> memref<128xi32, #tpu.memory_space<vmem>>
    %dma_start3A_79 = arith.constant 0 : i32
    %dma_start3A_80 = arith.constant 0 : i32
    %dma_start3A_81 = tpu.memref_slice %arg7[%dma_start3A_79, %dma_start3A_80] : memref<1000000x32xf32, #tpu.memory_space<hbm>> -> memref<1000000x32xf32, #tpu.memory_space<hbm>>
    tpu.enqueue_indirect_dma source(%dma_start3A_81 : memref<1000000x32xf32, #tpu.memory_space<hbm>>) target(%dma_start3A_75 : memref<128x32xf32, #tpu.memory_space<vmem>>) offsets(%dma_start3A_78 : memref<128xi32, #tpu.memory_space<vmem>>) semaphore(%arg15 : memref<!tpu.dma_semaphore, #tpu.memory_space<semaphore_mem>>)
    %dma_wait3A = arith.constant 0 : i32
    %dma_wait3A_82 = arith.constant 0 : i32
    %dma_wait3A_83 = arith.constant 0 : i32
    %dma_wait3A_84 = tpu.memref_slice %arg13[%dma_wait3A_82, %dma_wait3A_83] : memref<512x32xf32, #tpu.memory_space<vmem>> -> memref<128x32xf32, #tpu.memory_space<vmem>>
    %dma_wait3A_85 = arith.constant 0 : i32
    %dma_wait3A_86 = tpu.memref_slice %arg9[%dma_wait3A, %dma_wait3A_85] : memref<4x128xi32, #tpu.memory_space<vmem>> -> memref<1x128xi32, #tpu.memory_space<vmem>>
    %dma_wait3A_87 = tpu.memref_squeeze %dma_wait3A_86 : memref<1x128xi32, #tpu.memory_space<vmem>> -> memref<128xi32, #tpu.memory_space<vmem>>
    %dma_wait3A_88 = arith.constant 0 : i32
    %dma_wait3A_89 = arith.constant 0 : i32
    %dma_wait3A_90 = tpu.memref_slice %arg6[%dma_wait3A_88, %dma_wait3A_89] : memref<100000x32xf32, #tpu.memory_space<hbm>> -> memref<100000x32xf32, #tpu.memory_space<hbm>>
    tpu.wait_indirect_dma semaphore(%arg15 : memref<!tpu.dma_semaphore, #tpu.memory_space<semaphore_mem>>) src(%dma_wait3A_90 : memref<100000x32xf32, #tpu.memory_space<hbm>>) dst(%dma_wait3A_84 : memref<128x32xf32, #tpu.memory_space<vmem>>)
    %dma_wait3A_91 = arith.constant 1 : i32
    %dma_wait3A_92 = arith.constant 128 : i32
    %dma_wait3A_93 = arith.constant 0 : i32
    %dma_wait3A_94 = tpu.memref_slice %arg13[%dma_wait3A_92, %dma_wait3A_93] : memref<512x32xf32, #tpu.memory_space<vmem>> -> memref<128x32xf32, #tpu.memory_space<vmem>>
    %dma_wait3A_95 = arith.constant 0 : i32
    %dma_wait3A_96 = tpu.memref_slice %arg9[%dma_wait3A_91, %dma_wait3A_95] : memref<4x128xi32, #tpu.memory_space<vmem>> -> memref<1x128xi32, #tpu.memory_space<vmem>>
    %dma_wait3A_97 = tpu.memref_squeeze %dma_wait3A_96 : memref<1x128xi32, #tpu.memory_space<vmem>> -> memref<128xi32, #tpu.memory_space<vmem>>
    %dma_wait3A_98 = arith.constant 0 : i32
    %dma_wait3A_99 = arith.constant 0 : i32
    %dma_wait3A_100 = tpu.memref_slice %arg6[%dma_wait3A_98, %dma_wait3A_99] : memref<100000x32xf32, #tpu.memory_space<hbm>> -> memref<100000x32xf32, #tpu.memory_space<hbm>>
    tpu.wait_indirect_dma semaphore(%arg15 : memref<!tpu.dma_semaphore, #tpu.memory_space<semaphore_mem>>) src(%dma_wait3A_100 : memref<100000x32xf32, #tpu.memory_space<hbm>>) dst(%dma_wait3A_94 : memref<128x32xf32, #tpu.memory_space<vmem>>)
    %dma_wait3A_101 = arith.constant 2 : i32
    %dma_wait3A_102 = arith.constant 256 : i32
    %dma_wait3A_103 = arith.constant 0 : i32
    %dma_wait3A_104 = tpu.memref_slice %arg13[%dma_wait3A_102, %dma_wait3A_103] : memref<512x32xf32, #tpu.memory_space<vmem>> -> memref<128x32xf32, #tpu.memory_space<vmem>>
    %dma_wait3A_105 = arith.constant 0 : i32
    %dma_wait3A_106 = tpu.memref_slice %arg9[%dma_wait3A_101, %dma_wait3A_105] : memref<4x128xi32, #tpu.memory_space<vmem>> -> memref<1x128xi32, #tpu.memory_space<vmem>>
    %dma_wait3A_107 = tpu.memref_squeeze %dma_wait3A_106 : memref<1x128xi32, #tpu.memory_space<vmem>> -> memref<128xi32, #tpu.memory_space<vmem>>
    %dma_wait3A_108 = arith.constant 0 : i32
    %dma_wait3A_109 = arith.constant 0 : i32
    %dma_wait3A_110 = tpu.memref_slice %arg6[%dma_wait3A_108, %dma_wait3A_109] : memref<100000x32xf32, #tpu.memory_space<hbm>> -> memref<100000x32xf32, #tpu.memory_space<hbm>>
    tpu.wait_indirect_dma semaphore(%arg15 : memref<!tpu.dma_semaphore, #tpu.memory_space<semaphore_mem>>) src(%dma_wait3A_110 : memref<100000x32xf32, #tpu.memory_space<hbm>>) dst(%dma_wait3A_104 : memref<128x32xf32, #tpu.memory_space<vmem>>)
    %dma_wait3A_111 = arith.constant 3 : i32
    %dma_wait3A_112 = arith.constant 384 : i32
    %dma_wait3A_113 = arith.constant 0 : i32
    %dma_wait3A_114 = tpu.memref_slice %arg13[%dma_wait3A_112, %dma_wait3A_113] : memref<512x32xf32, #tpu.memory_space<vmem>> -> memref<128x32xf32, #tpu.memory_space<vmem>>
    %dma_wait3A_115 = arith.constant 0 : i32
    %dma_wait3A_116 = tpu.memref_slice %arg9[%dma_wait3A_111, %dma_wait3A_115] : memref<4x128xi32, #tpu.memory_space<vmem>> -> memref<1x128xi32, #tpu.memory_space<vmem>>
    %dma_wait3A_117 = tpu.memref_squeeze %dma_wait3A_116 : memref<1x128xi32, #tpu.memory_space<vmem>> -> memref<128xi32, #tpu.memory_space<vmem>>
    %dma_wait3A_118 = arith.constant 0 : i32
    %dma_wait3A_119 = arith.constant 0 : i32
    %dma_wait3A_120 = tpu.memref_slice %arg6[%dma_wait3A_118, %dma_wait3A_119] : memref<100000x32xf32, #tpu.memory_space<hbm>> -> memref<100000x32xf32, #tpu.memory_space<hbm>>
    tpu.wait_indirect_dma semaphore(%arg15 : memref<!tpu.dma_semaphore, #tpu.memory_space<semaphore_mem>>) src(%dma_wait3A_120 : memref<100000x32xf32, #tpu.memory_space<hbm>>) dst(%dma_wait3A_114 : memref<128x32xf32, #tpu.memory_space<vmem>>)
    %dma_wait3A_121 = arith.constant 0 : i32
    %dma_wait3A_122 = arith.constant 0 : i32
    %dma_wait3A_123 = arith.constant 0 : i32
    %dma_wait3A_124 = tpu.memref_slice %arg14[%dma_wait3A_122, %dma_wait3A_123] : memref<512x32xf32, #tpu.memory_space<vmem>> -> memref<128x32xf32, #tpu.memory_space<vmem>>
    %dma_wait3A_125 = arith.constant 0 : i32
    %dma_wait3A_126 = tpu.memref_slice %arg10[%dma_wait3A_121, %dma_wait3A_125] : memref<4x128xi32, #tpu.memory_space<vmem>> -> memref<1x128xi32, #tpu.memory_space<vmem>>
    %dma_wait3A_127 = tpu.memref_squeeze %dma_wait3A_126 : memref<1x128xi32, #tpu.memory_space<vmem>> -> memref<128xi32, #tpu.memory_space<vmem>>
    %dma_wait3A_128 = arith.constant 0 : i32
    %dma_wait3A_129 = arith.constant 0 : i32
    %dma_wait3A_130 = tpu.memref_slice %arg7[%dma_wait3A_128, %dma_wait3A_129] : memref<1000000x32xf32, #tpu.memory_space<hbm>> -> memref<1000000x32xf32, #tpu.memory_space<hbm>>
    tpu.wait_indirect_dma semaphore(%arg15 : memref<!tpu.dma_semaphore, #tpu.memory_space<semaphore_mem>>) src(%dma_wait3A_130 : memref<1000000x32xf32, #tpu.memory_space<hbm>>) dst(%dma_wait3A_124 : memref<128x32xf32, #tpu.memory_space<vmem>>)
    %dma_wait3A_131 = arith.constant 1 : i32
    %dma_wait3A_132 = arith.constant 128 : i32
    %dma_wait3A_133 = arith.constant 0 : i32
    %dma_wait3A_134 = tpu.memref_slice %arg14[%dma_wait3A_132, %dma_wait3A_133] : memref<512x32xf32, #tpu.memory_space<vmem>> -> memref<128x32xf32, #tpu.memory_space<vmem>>
    %dma_wait3A_135 = arith.constant 0 : i32
    %dma_wait3A_136 = tpu.memref_slice %arg10[%dma_wait3A_131, %dma_wait3A_135] : memref<4x128xi32, #tpu.memory_space<vmem>> -> memref<1x128xi32, #tpu.memory_space<vmem>>
    %dma_wait3A_137 = tpu.memref_squeeze %dma_wait3A_136 : memref<1x128xi32, #tpu.memory_space<vmem>> -> memref<128xi32, #tpu.memory_space<vmem>>
    %dma_wait3A_138 = arith.constant 0 : i32
    %dma_wait3A_139 = arith.constant 0 : i32
    %dma_wait3A_140 = tpu.memref_slice %arg7[%dma_wait3A_138, %dma_wait3A_139] : memref<1000000x32xf32, #tpu.memory_space<hbm>> -> memref<1000000x32xf32, #tpu.memory_space<hbm>>
    tpu.wait_indirect_dma semaphore(%arg15 : memref<!tpu.dma_semaphore, #tpu.memory_space<semaphore_mem>>) src(%dma_wait3A_140 : memref<1000000x32xf32, #tpu.memory_space<hbm>>) dst(%dma_wait3A_134 : memref<128x32xf32, #tpu.memory_space<vmem>>)
    %dma_wait3A_141 = arith.constant 2 : i32
    %dma_wait3A_142 = arith.constant 256 : i32
    %dma_wait3A_143 = arith.constant 0 : i32
    %dma_wait3A_144 = tpu.memref_slice %arg14[%dma_wait3A_142, %dma_wait3A_143] : memref<512x32xf32, #tpu.memory_space<vmem>> -> memref<128x32xf32, #tpu.memory_space<vmem>>
    %dma_wait3A_145 = arith.constant 0 : i32
    %dma_wait3A_146 = tpu.memref_slice %arg10[%dma_wait3A_141, %dma_wait3A_145] : memref<4x128xi32, #tpu.memory_space<vmem>> -> memref<1x128xi32, #tpu.memory_space<vmem>>
    %dma_wait3A_147 = tpu.memref_squeeze %dma_wait3A_146 : memref<1x128xi32, #tpu.memory_space<vmem>> -> memref<128xi32, #tpu.memory_space<vmem>>
    %dma_wait3A_148 = arith.constant 0 : i32
    %dma_wait3A_149 = arith.constant 0 : i32
    %dma_wait3A_150 = tpu.memref_slice %arg7[%dma_wait3A_148, %dma_wait3A_149] : memref<1000000x32xf32, #tpu.memory_space<hbm>> -> memref<1000000x32xf32, #tpu.memory_space<hbm>>
    tpu.wait_indirect_dma semaphore(%arg15 : memref<!tpu.dma_semaphore, #tpu.memory_space<semaphore_mem>>) src(%dma_wait3A_150 : memref<1000000x32xf32, #tpu.memory_space<hbm>>) dst(%dma_wait3A_144 : memref<128x32xf32, #tpu.memory_space<vmem>>)
    %dma_wait3A_151 = arith.constant 3 : i32
    %dma_wait3A_152 = arith.constant 384 : i32
    %dma_wait3A_153 = arith.constant 0 : i32
    %dma_wait3A_154 = tpu.memref_slice %arg14[%dma_wait3A_152, %dma_wait3A_153] : memref<512x32xf32, #tpu.memory_space<vmem>> -> memref<128x32xf32, #tpu.memory_space<vmem>>
    %dma_wait3A_155 = arith.constant 0 : i32
    %dma_wait3A_156 = tpu.memref_slice %arg10[%dma_wait3A_151, %dma_wait3A_155] : memref<4x128xi32, #tpu.memory_space<vmem>> -> memref<1x128xi32, #tpu.memory_space<vmem>>
    %dma_wait3A_157 = tpu.memref_squeeze %dma_wait3A_156 : memref<1x128xi32, #tpu.memory_space<vmem>> -> memref<128xi32, #tpu.memory_space<vmem>>
    %dma_wait3A_158 = arith.constant 0 : i32
    %dma_wait3A_159 = arith.constant 0 : i32
    %dma_wait3A_160 = tpu.memref_slice %arg7[%dma_wait3A_158, %dma_wait3A_159] : memref<1000000x32xf32, #tpu.memory_space<hbm>> -> memref<1000000x32xf32, #tpu.memory_space<hbm>>
    tpu.wait_indirect_dma semaphore(%arg15 : memref<!tpu.dma_semaphore, #tpu.memory_space<semaphore_mem>>) src(%dma_wait3A_160 : memref<1000000x32xf32, #tpu.memory_space<hbm>>) dst(%dma_wait3A_154 : memref<128x32xf32, #tpu.memory_space<vmem>>)
    %dma_start3A_161 = arith.constant 0 : i32
    %dma_start3A_162 = arith.constant 0 : i32
    %dma_start3A_163 = arith.constant 0 : i32
    %dma_start3A_164 = tpu.memref_slice %arg13[%dma_start3A_162, %dma_start3A_163] : memref<512x32xf32, #tpu.memory_space<vmem>> -> memref<128x32xf32, #tpu.memory_space<vmem>>
    %dma_start3A_165 = arith.constant 0 : i32
    %dma_start3A_166 = tpu.memref_slice %arg11[%dma_start3A_161, %dma_start3A_165] : memref<4x128xi32, #tpu.memory_space<vmem>> -> memref<1x128xi32, #tpu.memory_space<vmem>>
    %dma_start3A_167 = tpu.memref_squeeze %dma_start3A_166 : memref<1x128xi32, #tpu.memory_space<vmem>> -> memref<128xi32, #tpu.memory_space<vmem>>
    %dma_start3A_168 = arith.constant 0 : i32
    %dma_start3A_169 = arith.constant 0 : i32
    %dma_start3A_170 = tpu.memref_slice %arg8[%dma_start3A_168, %dma_start3A_169] : memref<32768x32xf32, #tpu.memory_space<hbm>> -> memref<32768x32xf32, #tpu.memory_space<hbm>>
    tpu.enqueue_indirect_dma source(%dma_start3A_164 : memref<128x32xf32, #tpu.memory_space<vmem>>) target(%dma_start3A_170 : memref<32768x32xf32, #tpu.memory_space<hbm>>) offsets(%dma_start3A_167 : memref<128xi32, #tpu.memory_space<vmem>>) semaphore(%arg16 : memref<!tpu.dma_semaphore, #tpu.memory_space<semaphore_mem>>)
    %dma_start3A_171 = arith.constant 1 : i32
    %dma_start3A_172 = arith.constant 128 : i32
    %dma_start3A_173 = arith.constant 0 : i32
    %dma_start3A_174 = tpu.memref_slice %arg13[%dma_start3A_172, %dma_start3A_173] : memref<512x32xf32, #tpu.memory_space<vmem>> -> memref<128x32xf32, #tpu.memory_space<vmem>>
    %dma_start3A_175 = arith.constant 0 : i32
    %dma_start3A_176 = tpu.memref_slice %arg11[%dma_start3A_171, %dma_start3A_175] : memref<4x128xi32, #tpu.memory_space<vmem>> -> memref<1x128xi32, #tpu.memory_space<vmem>>
    %dma_start3A_177 = tpu.memref_squeeze %dma_start3A_176 : memref<1x128xi32, #tpu.memory_space<vmem>> -> memref<128xi32, #tpu.memory_space<vmem>>
    %dma_start3A_178 = arith.constant 0 : i32
    %dma_start3A_179 = arith.constant 0 : i32
    %dma_start3A_180 = tpu.memref_slice %arg8[%dma_start3A_178, %dma_start3A_179] : memref<32768x32xf32, #tpu.memory_space<hbm>> -> memref<32768x32xf32, #tpu.memory_space<hbm>>
    tpu.enqueue_indirect_dma source(%dma_start3A_174 : memref<128x32xf32, #tpu.memory_space<vmem>>) target(%dma_start3A_180 : memref<32768x32xf32, #tpu.memory_space<hbm>>) offsets(%dma_start3A_177 : memref<128xi32, #tpu.memory_space<vmem>>) semaphore(%arg16 : memref<!tpu.dma_semaphore, #tpu.memory_space<semaphore_mem>>)
    %dma_start3A_181 = arith.constant 2 : i32
    %dma_start3A_182 = arith.constant 256 : i32
    %dma_start3A_183 = arith.constant 0 : i32
    %dma_start3A_184 = tpu.memref_slice %arg13[%dma_start3A_182, %dma_start3A_183] : memref<512x32xf32, #tpu.memory_space<vmem>> -> memref<128x32xf32, #tpu.memory_space<vmem>>
    %dma_start3A_185 = arith.constant 0 : i32
    %dma_start3A_186 = tpu.memref_slice %arg11[%dma_start3A_181, %dma_start3A_185] : memref<4x128xi32, #tpu.memory_space<vmem>> -> memref<1x128xi32, #tpu.memory_space<vmem>>
    %dma_start3A_187 = tpu.memref_squeeze %dma_start3A_186 : memref<1x128xi32, #tpu.memory_space<vmem>> -> memref<128xi32, #tpu.memory_space<vmem>>
    %dma_start3A_188 = arith.constant 0 : i32
    %dma_start3A_189 = arith.constant 0 : i32
    %dma_start3A_190 = tpu.memref_slice %arg8[%dma_start3A_188, %dma_start3A_189] : memref<32768x32xf32, #tpu.memory_space<hbm>> -> memref<32768x32xf32, #tpu.memory_space<hbm>>
    tpu.enqueue_indirect_dma source(%dma_start3A_184 : memref<128x32xf32, #tpu.memory_space<vmem>>) target(%dma_start3A_190 : memref<32768x32xf32, #tpu.memory_space<hbm>>) offsets(%dma_start3A_187 : memref<128xi32, #tpu.memory_space<vmem>>) semaphore(%arg16 : memref<!tpu.dma_semaphore, #tpu.memory_space<semaphore_mem>>)
    %dma_start3A_191 = arith.constant 3 : i32
    %dma_start3A_192 = arith.constant 384 : i32
    %dma_start3A_193 = arith.constant 0 : i32
    %dma_start3A_194 = tpu.memref_slice %arg13[%dma_start3A_192, %dma_start3A_193] : memref<512x32xf32, #tpu.memory_space<vmem>> -> memref<128x32xf32, #tpu.memory_space<vmem>>
    %dma_start3A_195 = arith.constant 0 : i32
    %dma_start3A_196 = tpu.memref_slice %arg11[%dma_start3A_191, %dma_start3A_195] : memref<4x128xi32, #tpu.memory_space<vmem>> -> memref<1x128xi32, #tpu.memory_space<vmem>>
    %dma_start3A_197 = tpu.memref_squeeze %dma_start3A_196 : memref<1x128xi32, #tpu.memory_space<vmem>> -> memref<128xi32, #tpu.memory_space<vmem>>
    %dma_start3A_198 = arith.constant 0 : i32
    %dma_start3A_199 = arith.constant 0 : i32
    %dma_start3A_200 = tpu.memref_slice %arg8[%dma_start3A_198, %dma_start3A_199] : memref<32768x32xf32, #tpu.memory_space<hbm>> -> memref<32768x32xf32, #tpu.memory_space<hbm>>
    tpu.enqueue_indirect_dma source(%dma_start3A_194 : memref<128x32xf32, #tpu.memory_space<vmem>>) target(%dma_start3A_200 : memref<32768x32xf32, #tpu.memory_space<hbm>>) offsets(%dma_start3A_197 : memref<128xi32, #tpu.memory_space<vmem>>) semaphore(%arg16 : memref<!tpu.dma_semaphore, #tpu.memory_space<semaphore_mem>>)
    %dma_start3A_201 = arith.constant 0 : i32
    %dma_start3A_202 = arith.constant 0 : i32
    %dma_start3A_203 = arith.constant 0 : i32
    %dma_start3A_204 = tpu.memref_slice %arg14[%dma_start3A_202, %dma_start3A_203] : memref<512x32xf32, #tpu.memory_space<vmem>> -> memref<128x32xf32, #tpu.memory_space<vmem>>
    %dma_start3A_205 = arith.constant 0 : i32
    %dma_start3A_206 = tpu.memref_slice %arg12[%dma_start3A_201, %dma_start3A_205] : memref<4x128xi32, #tpu.memory_space<vmem>> -> memref<1x128xi32, #tpu.memory_space<vmem>>
    %dma_start3A_207 = tpu.memref_squeeze %dma_start3A_206 : memref<1x128xi32, #tpu.memory_space<vmem>> -> memref<128xi32, #tpu.memory_space<vmem>>
    %dma_start3A_208 = arith.constant 0 : i32
    %dma_start3A_209 = arith.constant 0 : i32
    %dma_start3A_210 = tpu.memref_slice %arg8[%dma_start3A_208, %dma_start3A_209] : memref<32768x32xf32, #tpu.memory_space<hbm>> -> memref<32768x32xf32, #tpu.memory_space<hbm>>
    tpu.enqueue_indirect_dma source(%dma_start3A_204 : memref<128x32xf32, #tpu.memory_space<vmem>>) target(%dma_start3A_210 : memref<32768x32xf32, #tpu.memory_space<hbm>>) offsets(%dma_start3A_207 : memref<128xi32, #tpu.memory_space<vmem>>) semaphore(%arg16 : memref<!tpu.dma_semaphore, #tpu.memory_space<semaphore_mem>>)
    %dma_start3A_211 = arith.constant 1 : i32
    %dma_start3A_212 = arith.constant 128 : i32
    %dma_start3A_213 = arith.constant 0 : i32
    %dma_start3A_214 = tpu.memref_slice %arg14[%dma_start3A_212, %dma_start3A_213] : memref<512x32xf32, #tpu.memory_space<vmem>> -> memref<128x32xf32, #tpu.memory_space<vmem>>
    %dma_start3A_215 = arith.constant 0 : i32
    %dma_start3A_216 = tpu.memref_slice %arg12[%dma_start3A_211, %dma_start3A_215] : memref<4x128xi32, #tpu.memory_space<vmem>> -> memref<1x128xi32, #tpu.memory_space<vmem>>
    %dma_start3A_217 = tpu.memref_squeeze %dma_start3A_216 : memref<1x128xi32, #tpu.memory_space<vmem>> -> memref<128xi32, #tpu.memory_space<vmem>>
    %dma_start3A_218 = arith.constant 0 : i32
    %dma_start3A_219 = arith.constant 0 : i32
    %dma_start3A_220 = tpu.memref_slice %arg8[%dma_start3A_218, %dma_start3A_219] : memref<32768x32xf32, #tpu.memory_space<hbm>> -> memref<32768x32xf32, #tpu.memory_space<hbm>>
    tpu.enqueue_indirect_dma source(%dma_start3A_214 : memref<128x32xf32, #tpu.memory_space<vmem>>) target(%dma_start3A_220 : memref<32768x32xf32, #tpu.memory_space<hbm>>) offsets(%dma_start3A_217 : memref<128xi32, #tpu.memory_space<vmem>>) semaphore(%arg16 : memref<!tpu.dma_semaphore, #tpu.memory_space<semaphore_mem>>)
    %dma_start3A_221 = arith.constant 2 : i32
    %dma_start3A_222 = arith.constant 256 : i32
    %dma_start3A_223 = arith.constant 0 : i32
    %dma_start3A_224 = tpu.memref_slice %arg14[%dma_start3A_222, %dma_start3A_223] : memref<512x32xf32, #tpu.memory_space<vmem>> -> memref<128x32xf32, #tpu.memory_space<vmem>>
    %dma_start3A_225 = arith.constant 0 : i32
    %dma_start3A_226 = tpu.memref_slice %arg12[%dma_start3A_221, %dma_start3A_225] : memref<4x128xi32, #tpu.memory_space<vmem>> -> memref<1x128xi32, #tpu.memory_space<vmem>>
    %dma_start3A_227 = tpu.memref_squeeze %dma_start3A_226 : memref<1x128xi32, #tpu.memory_space<vmem>> -> memref<128xi32, #tpu.memory_space<vmem>>
    %dma_start3A_228 = arith.constant 0 : i32
    %dma_start3A_229 = arith.constant 0 : i32
    %dma_start3A_230 = tpu.memref_slice %arg8[%dma_start3A_228, %dma_start3A_229] : memref<32768x32xf32, #tpu.memory_space<hbm>> -> memref<32768x32xf32, #tpu.memory_space<hbm>>
    tpu.enqueue_indirect_dma source(%dma_start3A_224 : memref<128x32xf32, #tpu.memory_space<vmem>>) target(%dma_start3A_230 : memref<32768x32xf32, #tpu.memory_space<hbm>>) offsets(%dma_start3A_227 : memref<128xi32, #tpu.memory_space<vmem>>) semaphore(%arg16 : memref<!tpu.dma_semaphore, #tpu.memory_space<semaphore_mem>>)
    %dma_start3A_231 = arith.constant 3 : i32
    %dma_start3A_232 = arith.constant 384 : i32
    %dma_start3A_233 = arith.constant 0 : i32
    %dma_start3A_234 = tpu.memref_slice %arg14[%dma_start3A_232, %dma_start3A_233] : memref<512x32xf32, #tpu.memory_space<vmem>> -> memref<128x32xf32, #tpu.memory_space<vmem>>
    %dma_start3A_235 = arith.constant 0 : i32
    %dma_start3A_236 = tpu.memref_slice %arg12[%dma_start3A_231, %dma_start3A_235] : memref<4x128xi32, #tpu.memory_space<vmem>> -> memref<1x128xi32, #tpu.memory_space<vmem>>
    %dma_start3A_237 = tpu.memref_squeeze %dma_start3A_236 : memref<1x128xi32, #tpu.memory_space<vmem>> -> memref<128xi32, #tpu.memory_space<vmem>>
    %dma_start3A_238 = arith.constant 0 : i32
    %dma_start3A_239 = arith.constant 0 : i32
    %dma_start3A_240 = tpu.memref_slice %arg8[%dma_start3A_238, %dma_start3A_239] : memref<32768x32xf32, #tpu.memory_space<hbm>> -> memref<32768x32xf32, #tpu.memory_space<hbm>>
    tpu.enqueue_indirect_dma source(%dma_start3A_234 : memref<128x32xf32, #tpu.memory_space<vmem>>) target(%dma_start3A_240 : memref<32768x32xf32, #tpu.memory_space<hbm>>) offsets(%dma_start3A_237 : memref<128xi32, #tpu.memory_space<vmem>>) semaphore(%arg16 : memref<!tpu.dma_semaphore, #tpu.memory_space<semaphore_mem>>)
    %dma_wait3A_241 = arith.constant 0 : i32
    %dma_wait3A_242 = arith.constant 0 : i32
    %dma_wait3A_243 = arith.constant 0 : i32
    %dma_wait3A_244 = tpu.memref_slice %arg13[%dma_wait3A_242, %dma_wait3A_243] : memref<512x32xf32, #tpu.memory_space<vmem>> -> memref<128x32xf32, #tpu.memory_space<vmem>>
    %dma_wait3A_245 = arith.constant 0 : i32
    %dma_wait3A_246 = tpu.memref_slice %arg11[%dma_wait3A_241, %dma_wait3A_245] : memref<4x128xi32, #tpu.memory_space<vmem>> -> memref<1x128xi32, #tpu.memory_space<vmem>>
    %dma_wait3A_247 = tpu.memref_squeeze %dma_wait3A_246 : memref<1x128xi32, #tpu.memory_space<vmem>> -> memref<128xi32, #tpu.memory_space<vmem>>
    %dma_wait3A_248 = arith.constant 0 : i32
    %dma_wait3A_249 = arith.constant 0 : i32
    %dma_wait3A_250 = tpu.memref_slice %arg8[%dma_wait3A_248, %dma_wait3A_249] : memref<32768x32xf32, #tpu.memory_space<hbm>> -> memref<32768x32xf32, #tpu.memory_space<hbm>>
    tpu.wait_indirect_dma semaphore(%arg16 : memref<!tpu.dma_semaphore, #tpu.memory_space<semaphore_mem>>) src(%dma_wait3A_244 : memref<128x32xf32, #tpu.memory_space<vmem>>) dst(%dma_wait3A_250 : memref<32768x32xf32, #tpu.memory_space<hbm>>)
    %dma_wait3A_251 = arith.constant 1 : i32
    %dma_wait3A_252 = arith.constant 128 : i32
    %dma_wait3A_253 = arith.constant 0 : i32
    %dma_wait3A_254 = tpu.memref_slice %arg13[%dma_wait3A_252, %dma_wait3A_253] : memref<512x32xf32, #tpu.memory_space<vmem>> -> memref<128x32xf32, #tpu.memory_space<vmem>>
    %dma_wait3A_255 = arith.constant 0 : i32
    %dma_wait3A_256 = tpu.memref_slice %arg11[%dma_wait3A_251, %dma_wait3A_255] : memref<4x128xi32, #tpu.memory_space<vmem>> -> memref<1x128xi32, #tpu.memory_space<vmem>>
    %dma_wait3A_257 = tpu.memref_squeeze %dma_wait3A_256 : memref<1x128xi32, #tpu.memory_space<vmem>> -> memref<128xi32, #tpu.memory_space<vmem>>
    %dma_wait3A_258 = arith.constant 0 : i32
    %dma_wait3A_259 = arith.constant 0 : i32
    %dma_wait3A_260 = tpu.memref_slice %arg8[%dma_wait3A_258, %dma_wait3A_259] : memref<32768x32xf32, #tpu.memory_space<hbm>> -> memref<32768x32xf32, #tpu.memory_space<hbm>>
    tpu.wait_indirect_dma semaphore(%arg16 : memref<!tpu.dma_semaphore, #tpu.memory_space<semaphore_mem>>) src(%dma_wait3A_254 : memref<128x32xf32, #tpu.memory_space<vmem>>) dst(%dma_wait3A_260 : memref<32768x32xf32, #tpu.memory_space<hbm>>)
    %dma_wait3A_261 = arith.constant 2 : i32
    %dma_wait3A_262 = arith.constant 256 : i32
    %dma_wait3A_263 = arith.constant 0 : i32
    %dma_wait3A_264 = tpu.memref_slice %arg13[%dma_wait3A_262, %dma_wait3A_263] : memref<512x32xf32, #tpu.memory_space<vmem>> -> memref<128x32xf32, #tpu.memory_space<vmem>>
    %dma_wait3A_265 = arith.constant 0 : i32
    %dma_wait3A_266 = tpu.memref_slice %arg11[%dma_wait3A_261, %dma_wait3A_265] : memref<4x128xi32, #tpu.memory_space<vmem>> -> memref<1x128xi32, #tpu.memory_space<vmem>>
    %dma_wait3A_267 = tpu.memref_squeeze %dma_wait3A_266 : memref<1x128xi32, #tpu.memory_space<vmem>> -> memref<128xi32, #tpu.memory_space<vmem>>
    %dma_wait3A_268 = arith.constant 0 : i32
    %dma_wait3A_269 = arith.constant 0 : i32
    %dma_wait3A_270 = tpu.memref_slice %arg8[%dma_wait3A_268, %dma_wait3A_269] : memref<32768x32xf32, #tpu.memory_space<hbm>> -> memref<32768x32xf32, #tpu.memory_space<hbm>>
    tpu.wait_indirect_dma semaphore(%arg16 : memref<!tpu.dma_semaphore, #tpu.memory_space<semaphore_mem>>) src(%dma_wait3A_264 : memref<128x32xf32, #tpu.memory_space<vmem>>) dst(%dma_wait3A_270 : memref<32768x32xf32, #tpu.memory_space<hbm>>)
    %dma_wait3A_271 = arith.constant 3 : i32
    %dma_wait3A_272 = arith.constant 384 : i32
    %dma_wait3A_273 = arith.constant 0 : i32
    %dma_wait3A_274 = tpu.memref_slice %arg13[%dma_wait3A_272, %dma_wait3A_273] : memref<512x32xf32, #tpu.memory_space<vmem>> -> memref<128x32xf32, #tpu.memory_space<vmem>>
    %dma_wait3A_275 = arith.constant 0 : i32
    %dma_wait3A_276 = tpu.memref_slice %arg11[%dma_wait3A_271, %dma_wait3A_275] : memref<4x128xi32, #tpu.memory_space<vmem>> -> memref<1x128xi32, #tpu.memory_space<vmem>>
    %dma_wait3A_277 = tpu.memref_squeeze %dma_wait3A_276 : memref<1x128xi32, #tpu.memory_space<vmem>> -> memref<128xi32, #tpu.memory_space<vmem>>
    %dma_wait3A_278 = arith.constant 0 : i32
    %dma_wait3A_279 = arith.constant 0 : i32
    %dma_wait3A_280 = tpu.memref_slice %arg8[%dma_wait3A_278, %dma_wait3A_279] : memref<32768x32xf32, #tpu.memory_space<hbm>> -> memref<32768x32xf32, #tpu.memory_space<hbm>>
    tpu.wait_indirect_dma semaphore(%arg16 : memref<!tpu.dma_semaphore, #tpu.memory_space<semaphore_mem>>) src(%dma_wait3A_274 : memref<128x32xf32, #tpu.memory_space<vmem>>) dst(%dma_wait3A_280 : memref<32768x32xf32, #tpu.memory_space<hbm>>)
    %dma_wait3A_281 = arith.constant 0 : i32
    %dma_wait3A_282 = arith.constant 0 : i32
    %dma_wait3A_283 = arith.constant 0 : i32
    %dma_wait3A_284 = tpu.memref_slice %arg14[%dma_wait3A_282, %dma_wait3A_283] : memref<512x32xf32, #tpu.memory_space<vmem>> -> memref<128x32xf32, #tpu.memory_space<vmem>>
    %dma_wait3A_285 = arith.constant 0 : i32
    %dma_wait3A_286 = tpu.memref_slice %arg12[%dma_wait3A_281, %dma_wait3A_285] : memref<4x128xi32, #tpu.memory_space<vmem>> -> memref<1x128xi32, #tpu.memory_space<vmem>>
    %dma_wait3A_287 = tpu.memref_squeeze %dma_wait3A_286 : memref<1x128xi32, #tpu.memory_space<vmem>> -> memref<128xi32, #tpu.memory_space<vmem>>
    %dma_wait3A_288 = arith.constant 0 : i32
    %dma_wait3A_289 = arith.constant 0 : i32
    %dma_wait3A_290 = tpu.memref_slice %arg8[%dma_wait3A_288, %dma_wait3A_289] : memref<32768x32xf32, #tpu.memory_space<hbm>> -> memref<32768x32xf32, #tpu.memory_space<hbm>>
    tpu.wait_indirect_dma semaphore(%arg16 : memref<!tpu.dma_semaphore, #tpu.memory_space<semaphore_mem>>) src(%dma_wait3A_284 : memref<128x32xf32, #tpu.memory_space<vmem>>) dst(%dma_wait3A_290 : memref<32768x32xf32, #tpu.memory_space<hbm>>)
    %dma_wait3A_291 = arith.constant 1 : i32
    %dma_wait3A_292 = arith.constant 128 : i32
    %dma_wait3A_293 = arith.constant 0 : i32
    %dma_wait3A_294 = tpu.memref_slice %arg14[%dma_wait3A_292, %dma_wait3A_293] : memref<512x32xf32, #tpu.memory_space<vmem>> -> memref<128x32xf32, #tpu.memory_space<vmem>>
    %dma_wait3A_295 = arith.constant 0 : i32
    %dma_wait3A_296 = tpu.memref_slice %arg12[%dma_wait3A_291, %dma_wait3A_295] : memref<4x128xi32, #tpu.memory_space<vmem>> -> memref<1x128xi32, #tpu.memory_space<vmem>>
    %dma_wait3A_297 = tpu.memref_squeeze %dma_wait3A_296 : memref<1x128xi32, #tpu.memory_space<vmem>> -> memref<128xi32, #tpu.memory_space<vmem>>
    %dma_wait3A_298 = arith.constant 0 : i32
    %dma_wait3A_299 = arith.constant 0 : i32
    %dma_wait3A_300 = tpu.memref_slice %arg8[%dma_wait3A_298, %dma_wait3A_299] : memref<32768x32xf32, #tpu.memory_space<hbm>> -> memref<32768x32xf32, #tpu.memory_space<hbm>>
    tpu.wait_indirect_dma semaphore(%arg16 : memref<!tpu.dma_semaphore, #tpu.memory_space<semaphore_mem>>) src(%dma_wait3A_294 : memref<128x32xf32, #tpu.memory_space<vmem>>) dst(%dma_wait3A_300 : memref<32768x32xf32, #tpu.memory_space<hbm>>)
    %dma_wait3A_301 = arith.constant 2 : i32
    %dma_wait3A_302 = arith.constant 256 : i32
    %dma_wait3A_303 = arith.constant 0 : i32
    %dma_wait3A_304 = tpu.memref_slice %arg14[%dma_wait3A_302, %dma_wait3A_303] : memref<512x32xf32, #tpu.memory_space<vmem>> -> memref<128x32xf32, #tpu.memory_space<vmem>>
    %dma_wait3A_305 = arith.constant 0 : i32
    %dma_wait3A_306 = tpu.memref_slice %arg12[%dma_wait3A_301, %dma_wait3A_305] : memref<4x128xi32, #tpu.memory_space<vmem>> -> memref<1x128xi32, #tpu.memory_space<vmem>>
    %dma_wait3A_307 = tpu.memref_squeeze %dma_wait3A_306 : memref<1x128xi32, #tpu.memory_space<vmem>> -> memref<128xi32, #tpu.memory_space<vmem>>
    %dma_wait3A_308 = arith.constant 0 : i32
    %dma_wait3A_309 = arith.constant 0 : i32
    %dma_wait3A_310 = tpu.memref_slice %arg8[%dma_wait3A_308, %dma_wait3A_309] : memref<32768x32xf32, #tpu.memory_space<hbm>> -> memref<32768x32xf32, #tpu.memory_space<hbm>>
    tpu.wait_indirect_dma semaphore(%arg16 : memref<!tpu.dma_semaphore, #tpu.memory_space<semaphore_mem>>) src(%dma_wait3A_304 : memref<128x32xf32, #tpu.memory_space<vmem>>) dst(%dma_wait3A_310 : memref<32768x32xf32, #tpu.memory_space<hbm>>)
    %dma_wait3A_311 = arith.constant 3 : i32
    %dma_wait3A_312 = arith.constant 384 : i32
    %dma_wait3A_313 = arith.constant 0 : i32
    %dma_wait3A_314 = tpu.memref_slice %arg14[%dma_wait3A_312, %dma_wait3A_313] : memref<512x32xf32, #tpu.memory_space<vmem>> -> memref<128x32xf32, #tpu.memory_space<vmem>>
    %dma_wait3A_315 = arith.constant 0 : i32
    %dma_wait3A_316 = tpu.memref_slice %arg12[%dma_wait3A_311, %dma_wait3A_315] : memref<4x128xi32, #tpu.memory_space<vmem>> -> memref<1x128xi32, #tpu.memory_space<vmem>>
    %dma_wait3A_317 = tpu.memref_squeeze %dma_wait3A_316 : memref<1x128xi32, #tpu.memory_space<vmem>> -> memref<128xi32, #tpu.memory_space<vmem>>
    %dma_wait3A_318 = arith.constant 0 : i32
    %dma_wait3A_319 = arith.constant 0 : i32
    %dma_wait3A_320 = tpu.memref_slice %arg8[%dma_wait3A_318, %dma_wait3A_319] : memref<32768x32xf32, #tpu.memory_space<hbm>> -> memref<32768x32xf32, #tpu.memory_space<hbm>>
    tpu.wait_indirect_dma semaphore(%arg16 : memref<!tpu.dma_semaphore, #tpu.memory_space<semaphore_mem>>) src(%dma_wait3A_314 : memref<128x32xf32, #tpu.memory_space<vmem>>) dst(%dma_wait3A_320 : memref<32768x32xf32, #tpu.memory_space<hbm>>)
    return
  }
}

</mosaic_0001>

<sc_bundles>
// kernel: kernel.3.cloned.1.call-start
scs
__scs_entry_jumppad:
0x0: {  	(pc) =	sbr.rel $0x88, $3  }
0x1: {  	(tag) =	ssettag $0x0;
	lr =	simm.s32 $0x1  }
0x2: {  	[smem:$0x3F9E] =	sst lr;
	_ =	strace $0xD0000000  }
0x3: {  	_ = 	snop  }
0x4: {  	_ = 	snop  }
0x5: {  	_ = 	snop  }
0x6: {  	_ = 	snop  }
0x7: {  	_ = 	snop  }
__scs_overlays_trampoline_lowered:
0x8: {  	[smem:$0x3FAD] =	sst s0  }
0x9: {  	[smem:$0x3FAE] =	sst s1  }
0xa: {  	[smem:$0x3FAF] =	sst s2  }
0xb: {  	[smem:$0x3FB0] =	sst s3  }
0xc: {  	[smem:$0x3FB1] =	sst s4  }
0xd: {  	[smem:$0x3FB2] =	sst s5  }
0xe: {  	[smem:$0x3FB3] =	sst s6  }
0xf: {  	[smem:$0x3FB4] =	sst s7  }
0x10: {  	[smem:$0x3FB5] =	sst s8  }
0x11: {  	[smem:$0x3FB6] =	sst s9;
	s0 =	simm.s32 @!p0 $0x0  }
0x12: {  	s1 =	sld [smem:$0x3F9C];
	s0 =	simm.s32 @p0 $0x1  }
0x13: {  	[smem:$0x3FB7] =	sst s0;
	s0 =	simm.s32 @!p1 $0x0  }
0x14: {  	s2 =	sld [smem:$0x3F9B];
	s0 =	simm.s32 @p1 $0x1  }
0x15: {  	[smem:$0x3FB8] =	sst s0;
	s0 =	simm.s32 @!p2 $0x0  }
0x16: {  	s3 =	sld [smem:$0x3FDB];
	s0 =	simm.s32 @p2 $0x1  }
0x17: {  	s4 =	simm.s32 $0x1BF5;
	[smem:$0x3FBA] =	sst s0  }
0x18: {  	s0 =	sld [smem:$0x3F9D];
	_ =	swait.ge [sflag:s4], $0x0  }
0x19: {  	s7 =	sld [smem:$0x3F9E]  }
0x1a: {  	s8 =	sadd.s32 $0xFFFFE003, lr  }
0x1b: {  	s9 =	sadd.s32 $0xFFFFFEF7, lr;
	s5 =	simm.s32 $0xFFFFFFFF;
	p2 =	slt.u32 s8, $0xFFFFF086  }
0x1c: {  	p1 =	slt.u32 s9, $0xF7A;
	s5 =	simm.s32 @!p2 $0x0  }
0x1d: {  	s5 =	simm.s32 @p1 $0x1;
	p0 =	seq.s32 s7, s2  }
0x1e: {  	s7 =	smul.u32 @!p0 $0xF7A, s2;
	p2 =	seq.s32 @!p0 s5, $0x0  }
0x1f: {  	s9 =	smul.u32 $0xF7A, s1;
	s8 =	simm.s32 @!p0 $0x1BF5;
	p2 =	por !p2, p0  }
0x20: {  	[sflag:s8] =	ssyncset.s32 @!p0 $0xFFFFF086;
	s6 =	sadd.s32 @!p0 s3, s7;
	s7 =	simm.s32 @!p0 $0x108  }
0x21: {  	s3 =	sadd.s32 s3, s9;
	s6 =	sadd.s32 @!p0 $0x88, s6;
	s7 =	simm.s32 @p2 $0x1082  }
0x22: {  	[simem:s7], [sflag:s8] =	dma.local @!p0 [hbm:s6], $0xF7A  }
0x23: {  	s9 =	sor.u32 $0xD0000000, s2;
	s6 =	simm.s32 $0x108;
	_ =	swait.ge @!p0 [sflag:s8], $0x0  }
0x24: {  	s3 =	sadd.s32 $0x88, s3;
	s6 =	simm.s32 @!p1 $0x1082;
	[sflag:s4] =	ssyncset.s32 $0xFFFFF086  }
0x25: {  	[simem:s6], [sflag:s4] =	dma.local [hbm:s3], $0xF7A  }
0x26: {  	[smem:$0x3F9E] =	sst s1;
	(tag) =	ssettag s2;
	_ =	strace s9  }
0x27: {  	s1 =	sld [smem:$0x3FAE]  }
0x28: {  	s2 =	sld [smem:$0x3FAF]  }
0x29: {  	s4 =	sld [smem:$0x3FB1]  }
0x2a: {  	p0 =	seq.s32 s5, $0x0;
	s5 =	sld [smem:$0x3FB2]  }
0x2b: {  	s6 =	sld [smem:$0x3FB3]  }
0x2c: {  	s7 =	sld [smem:$0x3FB4]  }
0x2d: {  	s3 =	simm.s32 $0x108;
	s8 =	sld [smem:$0x3FB5]  }
0x2e: {  	s3 =	simm.s32 @!p0 $0x1082;
	s9 =	sld [smem:$0x3FB6]  }
0x2f: {  	lr =	sadd.s32 s0, s3;
	s0 =	sld [smem:$0x3FAD]  }
0x30: {  	s3 =	sld [smem:$0x3FB0]  }
0x31: {  	[smem:$0x3FB9] =	sst s10  }
0x32: {  	s10 =	sld [smem:$0x3FB7];
	_ =	sdelay $0x3  }
0x33: {  	p0 =	seq.s32 s10, $0x1;
	s10 =	sld [smem:$0x3FB9];
	_ =	sdelay $0x3  }
0x34: {  	[smem:$0x3FB9] =	sst s10  }
0x35: {  	s10 =	sld [smem:$0x3FB8];
	_ =	sdelay $0x3  }
0x36: {  	p1 =	seq.s32 s10, $0x1;
	s10 =	sld [smem:$0x3FB9];
	_ =	sdelay $0x3  }
0x37: {  	[smem:$0x3FB9] =	sst s10  }
0x38: {  	s10 =	sld [smem:$0x3FBA]  }
0x39: {  	_ = 	snop;
	(pc) =	sbr.ind lr, $3  }
0x3a: {  	_ = 	snop  }
0x3b: {  	_ = 	snop  }
0x3c: {  	p2 =	seq.s32 s10, $0x1;
	s10 =	sld [smem:$0x3FB9]  }
0x3d: {  	_ =	shalt  }
0x3e: {  	_ =	shalt  }
0x3f: {  	_ =	shalt  }
0x40: {  	_ =	shalt  }
0x41: {  	_ =	shalt  }
0x42: {  	_ =	shalt  }
0x43: {  	_ =	shalt  }
0x44: {  	_ =	shalt  }
0x45: {  	_ =	shalt  }
0x46: {  	_ =	shalt  }
0x47: {  	_ =	shalt  }
0x48: {  	_ =	shalt  }
0x49: {  	_ =	shalt  }
0x4a: {  	_ =	shalt  }
0x4b: {  	_ =	shalt  }
0x4c: {  	_ =	shalt  }
0x4d: {  	_ =	shalt  }
0x4e: {  	_ =	shalt  }
0x4f: {  	_ =	shalt  }
0x50: {  	_ =	shalt  }
0x51: {  	_ =	shalt  }
0x52: {  	_ =	shalt  }
0x53: {  	_ =	shalt  }
0x54: {  	_ =	shalt  }
0x55: {  	_ =	shalt  }
0x56: {  	_ =	shalt  }
0x57: {  	_ =	shalt  }
0x58: {  	_ =	shalt  }
0x59: {  	_ =	shalt  }
0x5a: {  	_ =	shalt  }
0x5b: {  	_ =	shalt  }
0x5c: {  	_ =	shalt  }
0x5d: {  	_ =	shalt  }
0x5e: {  	_ =	shalt  }
0x5f: {  	_ =	shalt  }
0x60: {  	_ =	shalt  }
0x61: {  	_ =	shalt  }
0x62: {  	_ =	shalt  }
0x63: {  	_ =	shalt  }
0x64: {  	_ =	shalt  }
0x65: {  	_ =	shalt  }
0x66: {  	_ =	shalt  }
0x67: {  	_ =	shalt  }
0x68: {  	_ =	shalt  }
0x69: {  	_ =	shalt  }
0x6a: {  	_ =	shalt  }
0x6b: {  	_ =	shalt  }
0x6c: {  	_ =	shalt  }
0x6d: {  	_ =	shalt  }
0x6e: {  	_ =	shalt  }
0x6f: {  	_ =	shalt  }
0x70: {  	_ =	shalt  }
0x71: {  	_ =	shalt  }
0x72: {  	_ =	shalt  }
0x73: {  	_ =	shalt  }
0x74: {  	_ =	shalt  }
0x75: {  	_ =	shalt  }
0x76: {  	_ =	shalt  }
0x77: {  	_ =	shalt  }
0x78: {  	_ =	shalt  }
0x79: {  	_ =	shalt  }
0x7a: {  	_ =	shalt  }
0x7b: {  	_ =	shalt  }
0x7c: {  	_ =	shalt  }
0x7d: {  	_ =	shalt  }
0x7e: {  	_ =	shalt  }
0x7f: {  	_ =	shalt  }
0x80: {  	_ =	shalt  }
0x81: {  	_ =	shalt  }
0x82: {  	_ =	shalt  }
0x83: {  	_ =	shalt  }
0x84: {  	_ =	shalt  }
0x85: {  	_ =	shalt  }
0x86: {  	_ =	shalt  }
0x87: {  	_ =	shalt  }
.Lfunc_end0:
.L_simem_size_0:
called_computation_lowered:
.L_overlay_start_0:
0x88: {  	s2 =	sld [smem:$0x3FD9]  }
0x89: {  	s3 =	sld [smem:$0x3FFE];
	_ =	sdelay $0x1  }
0x8a: {  	s1 =	srdreg.scid  }
0x8b: {  	s0 =	sand.u32 $0x1, s1  }
0x8c: {  	s17 =	sshll.u32 s0, $0xA;
	s2 =	sadd.s32 s3, s2  }
0x8d: {  	s2 =	sadd.s32 s2, s17  }
0x8e: {  	[smem:$0x3FC5] =	sst s2  }
0x8f: {  	_ = 	snop  }
0x90: {  	s2 =	sld [smem:$0x3FD0];
	(tm) =	ssettm $0x1  }
0x91: {  	s18 =	sld [smem:$0x3FFB];
	_ =	sdelay $0x3  }
0x92: {  	_ =	strace s18  }
0x93: {  	s3 =	sld [smem:$0x3FFC];
	_ =	sdelay $0x3  }
0x94: {  	_ =	strace s3  }
0x95: {  	s3 =	sld [smem:$0x3FFD];
	_ =	sdelay $0x3  }
0x96: {  	_ =	strace s3  }
0x97: {  	_ =	strace $0x8FFFFFFF  }
0x98: {  	s19 =	sld [smem:$0x3FDB];
	_ =	sdelay $0x1  }
0x99: {  	s4 =	simm.s32 $_scs_section_size  }
0x9a: {  	s5 =	simm.s32 $_size__tile_overlayer_lowered;
	s6 =	simm.s32 $_tile_overlayer_lowered  }
0x9b: {  	s22 =	simm.s32 $0x1BFF;
	s21 =	sshll.u32 s6, $0x1;
	s3 =	sadd.s32 s4, s19  }
0x9c: {  	s7 =	simm.s32 $0x0;
	s20 =	sshll.u32 s5, $0x1;
	s5 =	sadd.s32 s21, s3  }
0x9d: {  	[timem:s7], [sflag:s22] =	dma.local [hbm:s5], s20  }
0x9e: {  	_ =	swait.ge [sflag:s22], s20  }
0x9f: {  	s4 =	ssub.s32 $0x0, s20;
	[sflag:s22] =	ssyncset.done $0x0  }
0xa0: {  	[sflag:s22] =	ssyncadd.s32 s4;
	_ =	sdelay $0x1  }
0xa1: {  	s23 =	simm.s32 $0x1B8B  }
0xa2: {  	_ =	swait.ge [sflag:s23], $0x1  }
0xa3: {  	[sflag:s23] =	ssyncset.done $0x0  }
0xa4: {  	s25 =	simm.s32 $0x1B8E;
	s24 =	sld [smem:$0x3FFE];
	[sflag:s23] =	ssyncadd.s32 $0xFFFFFFFF  }
0xa5: {  	s26 =	simm.s32 $execute0_lowered;
	[smem:$0x3FD2] =	sst s25  }
0xa6: {  	s5 =	sshll.u32 s26, $0x1;
	_ =	strace $0x80000046;
	[dreg:$0x1] =	wrdreg $0xFFFFFFFF  }
0xa7: {  	s28 =	simm.s32 $_size_execute0_lowered;
	s3 =	sadd.s32 s3, s5;
	[dreg:$0x0] =	wrdreg $0x0  }
0xa8: {  	s5 =	sshll.u32 s28, $0x1;
	[dreg:$0x2] =	wrdreg s3  }
0xa9: {  	[dreg:$0x3] =	wrdreg s5  }
0xaa: {  	[dreg:$0x4] =	wrdreg $0xC0  }
0xab: {  	_ =	task [dreg:s7], $0x5FFFF  }
0xac: {  	[dreg:$0x1] =	wrdreg $0xFFFFFFFF  }
0xad: {  	[dreg:$0x0] =	wrdreg $0x60  }
0xae: {  	[dreg:$0x2] =	wrdreg s24  }
0xaf: {  	[dreg:$0x3] =	wrdreg s2  }
0xb0: {  	[dreg:$0x4] =	wrdreg $0x9  }
0xb1: {  	_ =	task.clear_ibuf [dreg:s7], $0x5FFFF;
	_ =	strace $0x90000046  }
0xb2: {  	s29 =	simm.s32 $0x9;
	_ =	strace $0x80000048  }
0xb3: {  	_ =	swait.ge [sflag:s29], $0x1  }
0xb4: {  	[sflag:s29] =	ssyncadd.s32 $0xFFFFFFFF  }
0xb5: {  	_ =	strace $0x90000048  }
0xb6: {  	_ =	sfence  }
0xb7: {  	s30 =	sld [smem:$0x0];
	_ =	sdelay $0x2  }
0xb8: {  	s31 =	sshll.u32 s1, $0xD;
	s1 =	sshrl.u32 s1, $0x2  }
0xb9: {  	s3 =	sand.u32 $0x4000, s31;
	s1 =	sadd.s32 s1, s30  }
0xba: {  	s0 =	sor.u32 s3, s0;
	s1 =	sshll.u32 s1, $0x11  }
0xbb: {  	s0 =	sor.u32 s1, s0  }
0xbc: {  	s0 =	sadd.s32 $0x8F2B, s0  }
0xbd: {  	[sflag:s0] =	ssyncadd.remote.s32 $0x1  }
0xbe: {  	_ =	sfence.sel $0xFFFF  }
0xbf: {  	[dreg:$0x0] =	wrdreg $0xFFFFFFFF;
	(pc) =	sbr.abs _section_cstart, $3  }
0xc0: {  	[dreg:$0x1] =	wrdreg $0xFFFFFFFF  }
0xc1: {  	_ =	task.clear_ibuf [dreg:s7], $0x2FFFF;
	_ =	strace $0x9FFFFFFF  }
0xc2: {  	(tm) =	ssettm $0x7FFFFFFF  }
0xc3: {  	_ =	shalt  }
tec
execute0_lowered:
.L_overlay_start_1:
0x0: {  	(tag) =	ssettag $0x1  }
0x1: {  	s0 =	rddreg [dreg:$0x0]  }
0x2: {  	s2 =	rddreg [dreg:$0x1]  }
0x3: {  	s1 =	srdreg.scid;
	s3 =	stileid.u32  }
0x4: {  	s16 =	simm.s32 $0x0;
	s26 =	simm.s32 $0x3;
	s25 =	simm.s32 $0x200  }
0x5: {  	s6 =	simm.s32 $0x400;
	s5 =	simm.s32 $0x600;
	s7 =	simm.s32 $0x800  }
0x6: {  	s24 =	simm.s32 $0x100;
	s8 =	simm.s32 $0x1800;
	s9 =	simm.s32 $0x2800  }
0x7: {  	s28 =	simm.s32 $0x180;
	s10 =	simm.s32 $0x3800;
	s11 =	simm.s32 $0x4800  }
0x8: {  	s29 =	simm.s32 $0x280;
	s12 =	simm.s32 $0x5800;
	s30 =	simm.s32 $0x300  }
0x9: {  	s13 =	simm.s32 $0x6800;
	s31 =	simm.s32 $0x380;
	s14 =	simm.s32 $0x7800  }
0xa: {  	p0 =	por $0x0, $0x0;
	s1 =	sand.u32 $0x1, s1;
	[smem:$0x7FF] =	sst s16  }
0xb: {  	s3 =	sshll.u32 s3, $0x7;
	s17 =	sadd.s32 $0x189200, s0;
	s15 =	sadd.s32 $0xF44C00, s0  }
0xc: {  	s4 =	sshll.u32 s1, $0x6;
	_ =	strace $0x80000047;
	s1 =	ssub.s32 $0x2, s1  }
0xd: {  	[dreg:$0x7] =	wrdreg s24;
	s3 =	sor.u32 s4, s3;
	s20 =	sshrl.u32 s1, $0x1  }
0xe: {  	s24 =	simm.s32 $0x580;
	s3 =	sadd.s32 s3, s0;
	s1 =	ssub.s32 s1, s20  }
0xf: {  	s4 =	simm.s32 $0x2;
	s18 =	sadd.s32 $0x2000, s3;
	s23 =	smax.u32 s1, $0x1  }
0x10: {  	s19 =	sadd.s32 $0x1800, s3;
	[dreg:$0x3] =	wrdreg s18;
	p1 =	sne.s32 s23, $0x1  }
.Ltmp0:
0x11: {  	s21 =	sadd.s32 $0x1000, s3;
	[dreg:$0x4] =	wrdreg s19;
	(pc) =	sbr.rel @!p1 .LBB2_3-.Ltmp0, $4  }
0x12: {  	s20 =	simm.s32 $0x680;
	s22 =	sadd.s32 $0x800, s3;
	[dreg:$0x5] =	wrdreg s21  }
0x13: {  	s3 =	simm.s32 $0x80;
	[dreg:$0x6] =	wrdreg s22;
	s19 =	simm.s32 $0x1  }
0x14: {  	s18 =	simm.s32 $0x480;
	s0 =	sadd.s32 $0xFFFFFFFF, s23;
	s23 =	simm.s32 $0x500  }
0x15: {  	s21 =	simm.s32 $0x700;
	s22 =	simm.s32 $0x780;
	s1 =	rddreg [dreg:$0x3]  }
0x16: {  	[tilespmem:s16], [sflag:$0x3] =	stream.linear.gather [hbm4b:s1+s16], $0x200, $0x38;
	[tilespmem:$0x8800] =	vst v63  }
0x17: {  	_ =	swait.ge [sflag:s26], $0x200  }
0x18: {  	[sflag:s26] =	ssyncset.done $0x0  }
0x19: {  	s1 =	rddreg [dreg:$0x4];
	[sflag:s26] =	ssyncadd.s32 $0xFFFFFE00  }
0x1a: {  	[tilespmem:s25], [sflag:$0x3] =	stream.linear.gather [hbm4b:s1+s16], $0x200, $0x38;
	[tilespmem:$0x8800] =	vst v63  }
0x1b: {  	_ =	swait.ge [sflag:s26], $0x200  }
0x1c: {  	[sflag:s26] =	ssyncset.done $0x0  }
0x1d: {  	s1 =	rddreg [dreg:$0x5];
	[sflag:s26] =	ssyncadd.s32 $0xFFFFFE00  }
0x1e: {  	[tilespmem:s6], [sflag:$0x3] =	stream.linear.gather [hbm4b:s1+s16], $0x200, $0x38;
	[tilespmem:$0x8800] =	vst v63  }
0x1f: {  	_ =	swait.ge [sflag:s26], $0x200  }
0x20: {  	[sflag:s26] =	ssyncset.done $0x0  }
0x21: {  	s1 =	rddreg [dreg:$0x6];
	[sflag:s26] =	ssyncadd.s32 $0xFFFFFE00  }
0x22: {  	[tilespmem:s5], [sflag:$0x3] =	stream.linear.gather [hbm4b:s1+s16], $0x200, $0x38;
	[tilespmem:$0x8800] =	vst v63  }
0x23: {  	_ =	swait.ge [sflag:s26], $0x200  }
0x24: {  	[sflag:s26] =	ssyncset.done $0x0  }
0x25: {  	[sflag:s26] =	ssyncadd.s32 $0xFFFFFE00  }
0x26: {  	[tilespmem:s7], [sflag:$0x1] =	stream.indirect.gather [hbm4b:s17+s3], $0x20, s16, s3, $0xb8;
	[tilespmem:$0x8800] =	vst v63  }
0x27: {  	_ = 	snop  }
0x28: {  	[tilespmem:s8], [sflag:$0x1] =	stream.indirect.gather [hbm4b:s17+s3], $0x20, s3, s3, $0xb8;
	[tilespmem:$0x8800] =	vst v63  }
0x29: {  	s1 =	rddreg [dreg:$0x7]  }
0x2a: {  	[tilespmem:s9], [sflag:$0x1] =	stream.indirect.gather [hbm4b:s17+s3], $0x20, s1, s3, $0xb8;
	[tilespmem:$0x8800] =	vst v63  }
0x2b: {  	_ = 	snop  }
0x2c: {  	[tilespmem:s10], [sflag:$0x1] =	stream.indirect.gather [hbm4b:s17+s3], $0x20, s28, s3, $0xb8;
	[tilespmem:$0x8800] =	vst v63  }
0x2d: {  	_ = 	snop  }
0x2e: {  	[tilespmem:s11], [sflag:$0x1] =	stream.indirect.gather [hbm4b:s15+s3], $0x20, s25, s3, $0xb8;
	[tilespmem:$0x8800] =	vst v63  }
0x2f: {  	_ = 	snop  }
0x30: {  	[tilespmem:s12], [sflag:$0x1] =	stream.indirect.gather [hbm4b:s15+s3], $0x20, s29, s3, $0xb8;
	[tilespmem:$0x8800] =	vst v63  }
0x31: {  	_ = 	snop  }
0x32: {  	[tilespmem:s13], [sflag:$0x1] =	stream.indirect.gather [hbm4b:s15+s3], $0x20, s30, s3, $0xb8;
	[tilespmem:$0x8800] =	vst v63  }
0x33: {  	_ = 	snop  }
0x34: {  	[tilespmem:s14], [sflag:$0x1] =	stream.indirect.gather [hbm4b:s15+s3], $0x20, s31, s3, $0xb8;
	[tilespmem:$0x8800] =	vst v63  }
0x35: {  	_ =	swait.ge [sflag:s19], $0x1000  }
0x36: {  	[sflag:s19] =	ssyncset.done $0x0  }
0x37: {  	[sflag:s19] =	ssyncadd.s32 $0xFFFFF000  }
0x38: {  	_ =	swait.ge [sflag:s19], $0x1000  }
0x39: {  	[sflag:s19] =	ssyncset.done $0x0  }
0x3a: {  	[sflag:s19] =	ssyncadd.s32 $0xFFFFF000  }
0x3b: {  	_ =	swait.ge [sflag:s19], $0x1000  }
0x3c: {  	[sflag:s19] =	ssyncset.done $0x0  }
0x3d: {  	[sflag:s19] =	ssyncadd.s32 $0xFFFFF000  }
0x3e: {  	_ =	swait.ge [sflag:s19], $0x1000  }
0x3f: {  	[sflag:s19] =	ssyncset.done $0x0  }
0x40: {  	[sflag:s19] =	ssyncadd.s32 $0xFFFFF000  }
0x41: {  	_ =	swait.ge [sflag:s19], $0x1000  }
0x42: {  	[sflag:s19] =	ssyncset.done $0x0  }
0x43: {  	[sflag:s19] =	ssyncadd.s32 $0xFFFFF000  }
0x44: {  	_ =	swait.ge [sflag:s19], $0x1000  }
0x45: {  	[sflag:s19] =	ssyncset.done $0x0  }
0x46: {  	[sflag:s19] =	ssyncadd.s32 $0xFFFFF000  }
0x47: {  	_ =	swait.ge [sflag:s19], $0x1000  }
0x48: {  	[sflag:s19] =	ssyncset.done $0x0  }
0x49: {  	[sflag:s19] =	ssyncadd.s32 $0xFFFFF000  }
0x4a: {  	_ =	swait.ge [sflag:s19], $0x1000  }
0x4b: {  	[sflag:s19] =	ssyncset.done $0x0  }
0x4c: {  	[sflag:s19] =	ssyncadd.s32 $0xFFFFF000  }
0x4d: {  	[hbm4b:s2+s3] =	stream.indirect.scatter [tilespmem:s7], [sflag:$0x2], $0x20, s6, s3, $0xb8;
	[tilespmem:$0x8800] =	vst v63  }
0x4e: {  	_ = 	snop  }
0x4f: {  	[hbm4b:s2+s3] =	stream.indirect.scatter [tilespmem:s8], [sflag:$0x2], $0x20, s18, s3, $0xb8;
	[tilespmem:$0x8800] =	vst v63  }
0x50: {  	_ = 	snop  }
0x51: {  	[hbm4b:s2+s3] =	stream.indirect.scatter [tilespmem:s9], [sflag:$0x2], $0x20, s23, s3, $0xb8;
	[tilespmem:$0x8800] =	vst v63  }
0x52: {  	_ = 	snop  }
0x53: {  	[hbm4b:s2+s3] =	stream.indirect.scatter [tilespmem:s10], [sflag:$0x2], $0x20, s24, s3, $0xb8;
	[tilespmem:$0x8800] =	vst v63  }
0x54: {  	_ = 	snop  }
0x55: {  	[hbm4b:s2+s3] =	stream.indirect.scatter [tilespmem:s11], [sflag:$0x2], $0x20, s5, s3, $0xb8;
	[tilespmem:$0x8800] =	vst v63  }
0x56: {  	_ = 	snop  }
0x57: {  	[hbm4b:s2+s3] =	stream.indirect.scatter [tilespmem:s12], [sflag:$0x2], $0x20, s20, s3, $0xb8;
	[tilespmem:$0x8800] =	vst v63  }
0x58: {  	_ = 	snop  }
0x59: {  	[hbm4b:s2+s3] =	stream.indirect.scatter [tilespmem:s13], [sflag:$0x2], $0x20, s21, s3, $0xb8;
	[tilespmem:$0x8800] =	vst v63  }
0x5a: {  	_ = 	snop  }
0x5b: {  	[hbm4b:s2+s3] =	stream.indirect.scatter [tilespmem:s14], [sflag:$0x2], $0x20, s22, s3, $0xb8;
	[tilespmem:$0x8800] =	vst v63  }
0x5c: {  	_ =	swait.ge [sflag:s4], $0x1000  }
0x5d: {  	[sflag:s4] =	ssyncset.done $0x0  }
0x5e: {  	[sflag:s4] =	ssyncadd.s32 $0xFFFFF000  }
0x5f: {  	_ =	swait.ge [sflag:s4], $0x1000  }
0x60: {  	[sflag:s4] =	ssyncset.done $0x0  }
0x61: {  	[sflag:s4] =	ssyncadd.s32 $0xFFFFF000  }
0x62: {  	_ =	swait.ge [sflag:s4], $0x1000  }
0x63: {  	[sflag:s4] =	ssyncset.done $0x0  }
0x64: {  	[sflag:s4] =	ssyncadd.s32 $0xFFFFF000  }
0x65: {  	_ =	swait.ge [sflag:s4], $0x1000  }
0x66: {  	[sflag:s4] =	ssyncset.done $0x0  }
0x67: {  	[sflag:s4] =	ssyncadd.s32 $0xFFFFF000  }
0x68: {  	_ =	swait.ge [sflag:s4], $0x1000  }
0x69: {  	[sflag:s4] =	ssyncset.done $0x0  }
0x6a: {  	[sflag:s4] =	ssyncadd.s32 $0xFFFFF000  }
0x6b: {  	_ =	swait.ge [sflag:s4], $0x1000  }
0x6c: {  	[sflag:s4] =	ssyncset.done $0x0  }
0x6d: {  	p1 =	sne.s32 s0, $0x1;
	[sflag:s4] =	ssyncadd.s32 $0xFFFFF000  }
.Ltmp1:
0x6e: {  	_ =	swait.ge [sflag:s4], $0x1000;
	(pc) =	sbr.rel @!p1 .LBB2_3-.Ltmp1, $4  }
0x6f: {  	[sflag:s4] =	ssyncset.done $0x0  }
0x70: {  	[sflag:s4] =	ssyncadd.s32 $0xFFFFF000  }
0x71: {  	s0 =	sadd.s32 $0xFFFFFFFF, s0;
	_ =	swait.ge [sflag:s4], $0x1000  }
0x72: {  	p0 =	por $0x1, $0x1;
	s1 =	rddreg [dreg:$0x3];
	[sflag:s4] =	ssyncset.done $0x0  }
.LBB2_2:
0x73: {  	[sflag:s4] =	ssyncadd.s32 $0xFFFFF000  }
0x74: {  	[tilespmem:s16], [sflag:$0x3] =	stream.linear.gather [hbm4b:s1+s16], $0x200, $0x38;
	[tilespmem:$0x8800] =	vst v63  }
0x75: {  	_ =	swait.ge [sflag:s26], $0x200  }
0x76: {  	[sflag:s26] =	ssyncset.done $0x0  }
0x77: {  	s1 =	rddreg [dreg:$0x4];
	[sflag:s26] =	ssyncadd.s32 $0xFFFFFE00  }
0x78: {  	[tilespmem:s25], [sflag:$0x3] =	stream.linear.gather [hbm4b:s1+s16], $0x200, $0x38;
	[tilespmem:$0x8800] =	vst v63  }
0x79: {  	_ =	swait.ge [sflag:s26], $0x200  }
0x7a: {  	[sflag:s26] =	ssyncset.done $0x0  }
0x7b: {  	s1 =	rddreg [dreg:$0x5];
	[sflag:s26] =	ssyncadd.s32 $0xFFFFFE00  }
0x7c: {  	[tilespmem:s6], [sflag:$0x3] =	stream.linear.gather [hbm4b:s1+s16], $0x200, $0x38;
	[tilespmem:$0x8800] =	vst v63  }
0x7d: {  	_ =	swait.ge [sflag:s26], $0x200  }
0x7e: {  	[sflag:s26] =	ssyncset.done $0x0  }
0x7f: {  	s1 =	rddreg [dreg:$0x6];
	[sflag:s26] =	ssyncadd.s32 $0xFFFFFE00  }
0x80: {  	[tilespmem:s5], [sflag:$0x3] =	stream.linear.gather [hbm4b:s1+s16], $0x200, $0x38;
	[tilespmem:$0x8800] =	vst v63  }
0x81: {  	_ =	swait.ge [sflag:s26], $0x200  }
0x82: {  	[sflag:s26] =	ssyncset.done $0x0  }
0x83: {  	[sflag:s26] =	ssyncadd.s32 $0xFFFFFE00  }
0x84: {  	[tilespmem:s7], [sflag:$0x1] =	stream.indirect.gather [hbm4b:s17+s3], $0x20, s16, s3, $0xb8;
	[tilespmem:$0x8800] =	vst v63  }
0x85: {  	_ = 	snop  }
0x86: {  	[tilespmem:s8], [sflag:$0x1] =	stream.indirect.gather [hbm4b:s17+s3], $0x20, s3, s3, $0xb8;
	[tilespmem:$0x8800] =	vst v63  }
0x87: {  	s1 =	rddreg [dreg:$0x7]  }
0x88: {  	[tilespmem:s9], [sflag:$0x1] =	stream.indirect.gather [hbm4b:s17+s3], $0x20, s1, s3, $0xb8;
	[tilespmem:$0x8800] =	vst v63  }
0x89: {  	_ = 	snop  }
0x8a: {  	[tilespmem:s10], [sflag:$0x1] =	stream.indirect.gather [hbm4b:s17+s3], $0x20, s28, s3, $0xb8;
	[tilespmem:$0x8800] =	vst v63  }
0x8b: {  	_ = 	snop  }
0x8c: {  	[tilespmem:s11], [sflag:$0x1] =	stream.indirect.gather [hbm4b:s15+s3], $0x20, s25, s3, $0xb8;
	[tilespmem:$0x8800] =	vst v63  }
0x8d: {  	_ = 	snop  }
0x8e: {  	[tilespmem:s12], [sflag:$0x1] =	stream.indirect.gather [hbm4b:s15+s3], $0x20, s29, s3, $0xb8;
	[tilespmem:$0x8800] =	vst v63  }
0x8f: {  	_ = 	snop  }
0x90: {  	[tilespmem:s13], [sflag:$0x1] =	stream.indirect.gather [hbm4b:s15+s3], $0x20, s30, s3, $0xb8;
	[tilespmem:$0x8800] =	vst v63  }
0x91: {  	_ = 	snop  }
0x92: {  	[tilespmem:s14], [sflag:$0x1] =	stream.indirect.gather [hbm4b:s15+s3], $0x20, s31, s3, $0xb8;
	[tilespmem:$0x8800] =	vst v63  }
0x93: {  	_ =	swait.ge [sflag:s19], $0x1000  }
0x94: {  	[sflag:s19] =	ssyncset.done $0x0  }
0x95: {  	[sflag:s19] =	ssyncadd.s32 $0xFFFFF000  }
0x96: {  	_ =	swait.ge [sflag:s19], $0x1000  }
0x97: {  	[sflag:s19] =	ssyncset.done $0x0  }
0x98: {  	[sflag:s19] =	ssyncadd.s32 $0xFFFFF000  }
0x99: {  	_ =	swait.ge [sflag:s19], $0x1000  }
0x9a: {  	[sflag:s19] =	ssyncset.done $0x0  }
0x9b: {  	[sflag:s19] =	ssyncadd.s32 $0xFFFFF000  }
0x9c: {  	_ =	swait.ge [sflag:s19], $0x1000  }
0x9d: {  	[sflag:s19] =	ssyncset.done $0x0  }
0x9e: {  	[sflag:s19] =	ssyncadd.s32 $0xFFFFF000  }
0x9f: {  	_ =	swait.ge [sflag:s19], $0x1000  }
0xa0: {  	[sflag:s19] =	ssyncset.done $0x0  }
0xa1: {  	[sflag:s19] =	ssyncadd.s32 $0xFFFFF000  }
0xa2: {  	_ =	swait.ge [sflag:s19], $0x1000  }
0xa3: {  	[sflag:s19] =	ssyncset.done $0x0  }
0xa4: {  	[sflag:s19] =	ssyncadd.s32 $0xFFFFF000  }
0xa5: {  	_ =	swait.ge [sflag:s19], $0x1000  }
0xa6: {  	[sflag:s19] =	ssyncset.done $0x0  }
0xa7: {  	[sflag:s19] =	ssyncadd.s32 $0xFFFFF000  }
0xa8: {  	_ =	swait.ge [sflag:s19], $0x1000  }
0xa9: {  	[sflag:s19] =	ssyncset.done $0x0  }
0xaa: {  	[sflag:s19] =	ssyncadd.s32 $0xFFFFF000  }
0xab: {  	[hbm4b:s2+s3] =	stream.indirect.scatter [tilespmem:s7], [sflag:$0x2], $0x20, s6, s3, $0xb8;
	[tilespmem:$0x8800] =	vst v63  }
0xac: {  	_ = 	snop  }
0xad: {  	[hbm4b:s2+s3] =	stream.indirect.scatter [tilespmem:s8], [sflag:$0x2], $0x20, s18, s3, $0xb8;
	[tilespmem:$0x8800] =	vst v63  }
0xae: {  	_ = 	snop  }
0xaf: {  	[hbm4b:s2+s3] =	stream.indirect.scatter [tilespmem:s9], [sflag:$0x2], $0x20, s23, s3, $0xb8;
	[tilespmem:$0x8800] =	vst v63  }
0xb0: {  	_ = 	snop  }
0xb1: {  	[hbm4b:s2+s3] =	stream.indirect.scatter [tilespmem:s10], [sflag:$0x2], $0x20, s24, s3, $0xb8;
	[tilespmem:$0x8800] =	vst v63  }
0xb2: {  	_ = 	snop  }
0xb3: {  	[hbm4b:s2+s3] =	stream.indirect.scatter [tilespmem:s11], [sflag:$0x2], $0x20, s5, s3, $0xb8;
	[tilespmem:$0x8800] =	vst v63  }
0xb4: {  	_ = 	snop  }
0xb5: {  	[hbm4b:s2+s3] =	stream.indirect.scatter [tilespmem:s12], [sflag:$0x2], $0x20, s20, s3, $0xb8;
	[tilespmem:$0x8800] =	vst v63  }
0xb6: {  	_ = 	snop  }
0xb7: {  	[hbm4b:s2+s3] =	stream.indirect.scatter [tilespmem:s13], [sflag:$0x2], $0x20, s21, s3, $0xb8;
	[tilespmem:$0x8800] =	vst v63  }
0xb8: {  	_ = 	snop  }
0xb9: {  	[hbm4b:s2+s3] =	stream.indirect.scatter [tilespmem:s14], [sflag:$0x2], $0x20, s22, s3, $0xb8;
	[tilespmem:$0x8800] =	vst v63  }
0xba: {  	_ =	swait.ge [sflag:s4], $0x1000  }
0xbb: {  	[sflag:s4] =	ssyncset.done $0x0  }
0xbc: {  	[sflag:s4] =	ssyncadd.s32 $0xFFFFF000  }
0xbd: {  	_ =	swait.ge [sflag:s4], $0x1000  }
0xbe: {  	[sflag:s4] =	ssyncset.done $0x0  }
0xbf: {  	[sflag:s4] =	ssyncadd.s32 $0xFFFFF000  }
0xc0: {  	_ =	swait.ge [sflag:s4], $0x1000  }
0xc1: {  	[sflag:s4] =	ssyncset.done $0x0  }
0xc2: {  	[sflag:s4] =	ssyncadd.s32 $0xFFFFF000  }
0xc3: {  	_ =	swait.ge [sflag:s4], $0x1000  }
0xc4: {  	[sflag:s4] =	ssyncset.done $0x0  }
0xc5: {  	[sflag:s4] =	ssyncadd.s32 $0xFFFFF000  }
0xc6: {  	_ =	swait.ge [sflag:s4], $0x1000  }
0xc7: {  	[sflag:s4] =	ssyncset.done $0x0  }
0xc8: {  	[sflag:s4] =	ssyncadd.s32 $0xFFFFF000  }
0xc9: {  	_ =	swait.ge [sflag:s4], $0x1000  }
0xca: {  	[sflag:s4] =	ssyncset.done $0x0  }
0xcb: {  	p1 =	sne.s32 s0, $0x1;
	[sflag:s4] =	ssyncadd.s32 $0xFFFFF000  }
.Ltmp2:
0xcc: {  	_ =	swait.ge [sflag:s4], $0x1000;
	(pc) =	sbr.rel @p1 .LBB2_2-.Ltmp2, $4  }
0xcd: {  	[sflag:s4] =	ssyncset.done $0x0  }
0xce: {  	[sflag:s4] =	ssyncadd.s32 $0xFFFFF000  }
0xcf: {  	_ =	swait.ge [sflag:s4], $0x1000  }
0xd0: {  	s0 =	sadd.s32 $0xFFFFFFFF, s0;
	s1 =	rddreg [dreg:$0x3];
	[sflag:s4] =	ssyncset.done $0x0  }
.LBB2_3:
0xd1: {  	[sflag:s4] =	ssyncadd.s32 @p0 $0xFFFFF000  }
0xd2: {  	[tilespmem:s16], [sflag:$0x3] =	stream.linear.gather [hbm4b:s1+s16], $0x200, $0x38;
	[tilespmem:$0x8800] =	vst v63  }
0xd3: {  	_ =	swait.ge [sflag:s26], $0x200  }
0xd4: {  	[sflag:s26] =	ssyncset.done $0x0  }
0xd5: {  	s0 =	rddreg [dreg:$0x4];
	[sflag:s26] =	ssyncadd.s32 $0xFFFFFE00  }
0xd6: {  	[tilespmem:s25], [sflag:$0x3] =	stream.linear.gather [hbm4b:s0+s16], $0x200, $0x38;
	[tilespmem:$0x8800] =	vst v63  }
0xd7: {  	_ =	swait.ge [sflag:s26], $0x200  }
0xd8: {  	[sflag:s26] =	ssyncset.done $0x0  }
0xd9: {  	s1 =	rddreg [dreg:$0x5];
	[sflag:s26] =	ssyncadd.s32 $0xFFFFFE00  }
0xda: {  	[tilespmem:s6], [sflag:$0x3] =	stream.linear.gather [hbm4b:s1+s16], $0x200, $0x38;
	[tilespmem:$0x8800] =	vst v63  }
0xdb: {  	_ =	swait.ge [sflag:s26], $0x200  }
0xdc: {  	[sflag:s26] =	ssyncset.done $0x0  }
0xdd: {  	s1 =	rddreg [dreg:$0x6];
	[sflag:s26] =	ssyncadd.s32 $0xFFFFFE00  }
0xde: {  	[tilespmem:s5], [sflag:$0x3] =	stream.linear.gather [hbm4b:s1+s16], $0x200, $0x38;
	[tilespmem:$0x8800] =	vst v63  }
0xdf: {  	_ =	swait.ge [sflag:s26], $0x200  }
0xe0: {  	[sflag:s26] =	ssyncset.done $0x0  }
0xe1: {  	[sflag:s26] =	ssyncadd.s32 $0xFFFFFE00  }
0xe2: {  	[tilespmem:s7], [sflag:$0x1] =	stream.indirect.gather [hbm4b:s17+s3], $0x20, s16, s3, $0xb8;
	[tilespmem:$0x8800] =	vst v63  }
0xe3: {  	_ = 	snop  }
0xe4: {  	[tilespmem:s8], [sflag:$0x1] =	stream.indirect.gather [hbm4b:s17+s3], $0x20, s3, s3, $0xb8;
	[tilespmem:$0x8800] =	vst v63  }
0xe5: {  	s26 =	rddreg [dreg:$0x7]  }
0xe6: {  	[tilespmem:s9], [sflag:$0x1] =	stream.indirect.gather [hbm4b:s17+s3], $0x20, s26, s3, $0xb8;
	[tilespmem:$0x8800] =	vst v63  }
0xe7: {  	_ = 	snop  }
0xe8: {  	[tilespmem:s10], [sflag:$0x1] =	stream.indirect.gather [hbm4b:s17+s3], $0x20, s28, s3, $0xb8;
	[tilespmem:$0x8800] =	vst v63  }
0xe9: {  	_ = 	snop  }
0xea: {  	[tilespmem:s11], [sflag:$0x1] =	stream.indirect.gather [hbm4b:s15+s3], $0x20, s25, s3, $0xb8;
	[tilespmem:$0x8800] =	vst v63  }
0xeb: {  	_ = 	snop  }
0xec: {  	[tilespmem:s12], [sflag:$0x1] =	stream.indirect.gather [hbm4b:s15+s3], $0x20, s29, s3, $0xb8;
	[tilespmem:$0x8800] =	vst v63  }
0xed: {  	_ = 	snop  }
0xee: {  	[tilespmem:s13], [sflag:$0x1] =	stream.indirect.gather [hbm4b:s15+s3], $0x20, s30, s3, $0xb8;
	[tilespmem:$0x8800] =	vst v63  }
0xef: {  	_ = 	snop  }
0xf0: {  	[tilespmem:s14], [sflag:$0x1] =	stream.indirect.gather [hbm4b:s15+s3], $0x20, s31, s3, $0xb8;
	[tilespmem:$0x8800] =	vst v63  }
0xf1: {  	_ =	swait.ge [sflag:s19], $0x1000  }
0xf2: {  	[sflag:s19] =	ssyncset.done $0x0  }
0xf3: {  	[sflag:s19] =	ssyncadd.s32 $0xFFFFF000  }
0xf4: {  	_ =	swait.ge [sflag:s19], $0x1000  }
0xf5: {  	[sflag:s19] =	ssyncset.done $0x0  }
0xf6: {  	[sflag:s19] =	ssyncadd.s32 $0xFFFFF000  }
0xf7: {  	_ =	swait.ge [sflag:s19], $0x1000  }
0xf8: {  	[sflag:s19] =	ssyncset.done $0x0  }
0xf9: {  	[sflag:s19] =	ssyncadd.s32 $0xFFFFF000  }
0xfa: {  	_ =	swait.ge [sflag:s19], $0x1000  }
0xfb: {  	[sflag:s19] =	ssyncset.done $0x0  }
0xfc: {  	[sflag:s19] =	ssyncadd.s32 $0xFFFFF000  }
0xfd: {  	_ =	swait.ge [sflag:s19], $0x1000  }
0xfe: {  	[sflag:s19] =	ssyncset.done $0x0  }
0xff: {  	[sflag:s19] =	ssyncadd.s32 $0xFFFFF000  }
0x100: {  	_ =	swait.ge [sflag:s19], $0x1000  }
0x101: {  	[sflag:s19] =	ssyncset.done $0x0  }
0x102: {  	[sflag:s19] =	ssyncadd.s32 $0xFFFFF000  }
0x103: {  	_ =	swait.ge [sflag:s19], $0x1000  }
0x104: {  	[sflag:s19] =	ssyncset.done $0x0  }
0x105: {  	[sflag:s19] =	ssyncadd.s32 $0xFFFFF000  }
0x106: {  	_ =	swait.ge [sflag:s19], $0x1000  }
0x107: {  	[sflag:s19] =	ssyncset.done $0x0  }
0x108: {  	[sflag:s19] =	ssyncadd.s32 $0xFFFFF000  }
0x109: {  	[hbm4b:s2+s3] =	stream.indirect.scatter [tilespmem:s7], [sflag:$0x2], $0x20, s6, s3, $0xb8;
	[tilespmem:$0x8800] =	vst v63  }
0x10a: {  	_ = 	snop  }
0x10b: {  	[hbm4b:s2+s3] =	stream.indirect.scatter [tilespmem:s8], [sflag:$0x2], $0x20, s18, s3, $0xb8;
	[tilespmem:$0x8800] =	vst v63  }
0x10c: {  	_ = 	snop  }
0x10d: {  	[hbm4b:s2+s3] =	stream.indirect.scatter [tilespmem:s9], [sflag:$0x2], $0x20, s23, s3, $0xb8;
	[tilespmem:$0x8800] =	vst v63  }
0x10e: {  	_ = 	snop  }
0x10f: {  	[hbm4b:s2+s3] =	stream.indirect.scatter [tilespmem:s10], [sflag:$0x2], $0x20, s24, s3, $0xb8;
	[tilespmem:$0x8800] =	vst v63  }
0x110: {  	_ = 	snop  }
0x111: {  	[hbm4b:s2+s3] =	stream.indirect.scatter [tilespmem:s11], [sflag:$0x2], $0x20, s5, s3, $0xb8;
	[tilespmem:$0x8800] =	vst v63  }
0x112: {  	_ = 	snop  }
0x113: {  	[hbm4b:s2+s3] =	stream.indirect.scatter [tilespmem:s12], [sflag:$0x2], $0x20, s20, s3, $0xb8;
	[tilespmem:$0x8800] =	vst v63  }
0x114: {  	_ = 	snop  }
0x115: {  	[hbm4b:s2+s3] =	stream.indirect.scatter [tilespmem:s13], [sflag:$0x2], $0x20, s21, s3, $0xb8;
	[tilespmem:$0x8800] =	vst v63  }
0x116: {  	_ = 	snop  }
0x117: {  	[hbm4b:s2+s3] =	stream.indirect.scatter [tilespmem:s14], [sflag:$0x2], $0x20, s22, s3, $0xb8;
	[tilespmem:$0x8800] =	vst v63  }
0x118: {  	_ =	swait.ge [sflag:s4], $0x1000  }
0x119: {  	[sflag:s4] =	ssyncset.done $0x0  }
0x11a: {  	[sflag:s4] =	ssyncadd.s32 $0xFFFFF000  }
0x11b: {  	_ =	swait.ge [sflag:s4], $0x1000  }
0x11c: {  	[sflag:s4] =	ssyncset.done $0x0  }
0x11d: {  	[sflag:s4] =	ssyncadd.s32 $0xFFFFF000  }
0x11e: {  	_ =	swait.ge [sflag:s4], $0x1000  }
0x11f: {  	[sflag:s4] =	ssyncset.done $0x0  }
0x120: {  	[sflag:s4] =	ssyncadd.s32 $0xFFFFF000  }
0x121: {  	_ =	swait.ge [sflag:s4], $0x1000  }
0x122: {  	[sflag:s4] =	ssyncset.done $0x0  }
0x123: {  	[sflag:s4] =	ssyncadd.s32 $0xFFFFF000  }
0x124: {  	_ =	swait.ge [sflag:s4], $0x1000  }
0x125: {  	[sflag:s4] =	ssyncset.done $0x0  }
0x126: {  	[sflag:s4] =	ssyncadd.s32 $0xFFFFF000  }
0x127: {  	_ =	swait.ge [sflag:s4], $0x1000  }
0x128: {  	[sflag:s4] =	ssyncset.done $0x0  }
0x129: {  	[sflag:s4] =	ssyncadd.s32 $0xFFFFF000  }
0x12a: {  	_ =	swait.ge [sflag:s4], $0x1000  }
0x12b: {  	[sflag:s4] =	ssyncset.done $0x0  }
0x12c: {  	[sflag:s4] =	ssyncadd.s32 $0xFFFFF000  }
0x12d: {  	_ =	swait.ge [sflag:s4], $0x1000  }
0x12e: {  	[sflag:s4] =	ssyncset.done $0x0  }
0x12f: {  	[sflag:s4] =	ssyncadd.s32 $0xFFFFF000  }
0x130: {  	_ =	sfence.sel $0x180000  }
0x131: {  	[bflag:$0x0] =	sbarrier.arrive $0xFFFF  }
0x132: {  	_ =	strace $0x90000047  }
0x133: {  	s31 =	stileid.u32;
	[bflag:$0x2] =	sbarrier.arrive $0xFFFF  }
0x134: {  	p0 =	sne.s32 s31, $0x0;
	s0 =	rddreg [dreg:$0x2]  }
0x135: {  	s0 =	sadd.s32 @!p0 $0x100000, s0  }
0x136: {  	[sflag:s0] =	ssyncadd.tile.s32 @!p0 $0x1;
	_ =	shalt  }
.Lfunc_end2:
_tile_overlayer_lowered:
.L_overlay_start_2:
0x137: {  	(tag) =	ssettag $0x2  }
0x138: {  	s0 =	rddreg [dreg:$0x0];
	s2 =	stileid.u32  }
0x139: {  	s1 =	rddreg [dreg:$0x1];
	p0 =	sne.s32 s2, $0x0  }
0x13a: {  	s3 =	rddreg [dreg:$0x2];
	[bflag:$0x3] =	sbarrier.arrive $0xFFFF;
	s2 =	simm.s32 @!p0 $0x1C03  }
0x13b: {  	[timem:s3], [sflag:s2] =	dma.local @!p0 [hbm:s0], s1  }
0x13c: {  	s0 =	simm.s32 @!p0 $0x3  }
0x13d: {  	_ =	swait.ge @!p0 [sflag:s0], s1  }
0x13e: {  	s1 =	ssub.s32 @!p0 $0x0, s1;
	[sflag:s0] =	ssyncset.done @!p0 $0x0  }
0x13f: {  	[sflag:s0] =	ssyncadd.s32 @!p0 s1  }
0x140: {  	[bflag:$0x3] =	sbarrier.arrive $0xFFFF  }
0x141: {  	_ =	shalt  }

</sc_bundles>
